<compile_context>
chip_gen: v7x
topology: tpu7x:2x2x1
jax: 0.10.2.dev20260603
libtpu: 0.0.44.dev20260713+nightly
codegen_flags: <defaults>
</compile_context>

<pallas_src>
import functools

import jax
import jax.numpy as jnp
from jax import lax
from jax.experimental import pallas as pl
from jax.experimental.pallas import tpu as pltpu
from jax.experimental.pallas import tpu_sc as plsc

_B, _N, _CIN = 4, 8192, 32
_S = 1024
_K = 32
_R = 0.2
_EPS = 1e-5
_M = _B * _S * _K
_DTAB = 128


def _fps_body(xyzr_ref, xg_ref, cent_ref, nxyz_ref):
    flat = (lax.broadcasted_iota(jnp.int32, (_B, 64, 128), 1) * 128
            + lax.broadcasted_iota(jnp.int32, (_B, 64, 128), 2))
    cflat = (lax.broadcasted_iota(jnp.int32, (_B, 8, 128), 1) * 128
             + lax.broadcasted_iota(jnp.int32, (_B, 8, 128), 2))
    X = xg_ref[:, 0]
    Y = xg_ref[:, 1]
    Z = xg_ref[:, 2]

    def body(i, state):
        cent, dist, cxs, cys, czs, fars = state
        cent = jnp.where(cflat == i, fars, cent)
        nxyz_ref[:, pl.ds(i, 1), :] = jnp.concatenate([cxs, cys, czs], axis=2)
        dx = X - cxs
        dy = Y - cys
        dz = Z - czs
        d = dx * dx + dy * dy + dz * dz
        dist = jnp.minimum(dist, d)
        m = jnp.max(dist, axis=(1, 2), keepdims=True)
        sel = dist == m
        far2 = jnp.min(jnp.where(sel, flat, jnp.int32(_N)),
                       axis=(1, 2), keepdims=True)
        cx2 = jnp.max(jnp.where(sel, X, -1e30), axis=(1, 2), keepdims=True)
        cy2 = jnp.max(jnp.where(sel, Y, -1e30), axis=(1, 2), keepdims=True)
        cz2 = jnp.max(jnp.where(sel, Z, -1e30), axis=(1, 2), keepdims=True)
        return (cent, dist, cx2, cy2, cz2, far2)

    init = (jnp.zeros((_B, 8, 128), jnp.int32),
            jnp.full((_B, 64, 128), 1e10, jnp.float32),
            xyzr_ref[:, 0:1, 0:1],
            xyzr_ref[:, 0:1, 1:2],
            xyzr_ref[:, 0:1, 2:3],
            jnp.zeros((_B, 1, 1), jnp.int32))
    cents, _, _, _, _, _ = lax.fori_loop(0, _S, body, init)
    cent_ref[...] = cents


def _run_fps(xyz):
    xg = jnp.transpose(xyz, (0, 2, 1)).reshape(_B, 3, 64, 128)
    cent, nxyz = pl.pallas_call(
        _fps_body,
        grid=(1,),
        in_specs=[
            pl.BlockSpec((_B, _N, 3), lambda i: (0, 0, 0)),
            pl.BlockSpec((_B, 3, 64, 128), lambda i: (0, 0, 0, 0)),
        ],
        out_specs=[
            pl.BlockSpec((_B, 8, 128), lambda i: (0, 0, 0)),
            pl.BlockSpec((_B, _S, 3), lambda i: (0, 0, 0)),
        ],
        out_shape=[
            jax.ShapeDtypeStruct((_B, 8, 128), jnp.int32),
            jax.ShapeDtypeStruct((_B, _S, 3), jnp.float32),
        ],
    )(xyz, xg)
    return cent, nxyz


_SB = 128


def _bq_body(xt_ref, nx_ref, idx_ref):
    b = pl.program_id(0)
    xt = xt_ref[0]
    nx = nx_ref[0, 0]
    xsq = jnp.sum(xt * xt, axis=0, keepdims=True)
    nsq = jnp.sum(nx * nx, axis=1, keepdims=True)
    dot = jnp.dot(nx, xt, preferred_element_type=jnp.float32)
    sqr = nsq + xsq - 2.0 * dot
    mask = jnp.logical_not(sqr > _R ** 2)
    rank = mask.astype(jnp.int32)
    sh = 1
    while sh < _N:
        z = jnp.zeros((_SB, sh), jnp.int32)
        rank = rank + jnp.concatenate([z, rank[:, :-sh]], axis=1)
        sh *= 2
    cnt = []
    for k in range(_K):
        c = jnp.sum((rank <= k).astype(jnp.int32), axis=1, keepdims=True)
        cnt.append(c)
    Yc = jnp.concatenate(cnt, axis=1)
    Yc = jnp.where(Yc == _N, Yc[:, 0:1], Yc)
    idx_ref[0, 0] = Yc + b * _N


def _run_ball_query(xyz, nxyz):
    xt = jnp.transpose(xyz, (0, 2, 1))
    nblk = _S // _SB
    idx = pl.pallas_call(
        _bq_body,
        grid=(_B, nblk),
        in_specs=[
            pl.BlockSpec((1, 3, _N), lambda b, j: (b, 0, 0)),
            pl.BlockSpec((1, 1, _SB, 3), lambda b, j: (b, j, 0, 0)),
        ],
        out_specs=pl.BlockSpec((1, 1, _SB, _K), lambda b, j: (b, j, 0, 0)),
        out_shape=jax.ShapeDtypeStruct((_B, nblk, _SB, _K), jnp.int32),
    )(xt, nxyz.reshape(_B, nblk, _SB, 3))
    return idx.reshape(_M)


_NW = 32
_RPW = _M // _NW
_CH = 512


def _sc_gather_body(table_hbm, idx_hbm, out_hbm, idx_v, rows_v, sem):
    wid = lax.axis_index("s") * 2 + lax.axis_index("c")
    base = wid * _RPW

    def chunk(c, carry):
        off = base + c * _CH
        pltpu.sync_copy(idx_hbm.at[pl.ds(off, _CH)], idx_v)
        pltpu.async_copy(table_hbm.at[idx_v], rows_v, sem).wait()
        pltpu.sync_copy(rows_v, out_hbm.at[pl.ds(off, _CH)])
        return carry

    lax.fori_loop(0, _RPW // _CH, chunk, 0)


def _run_gather(table, idx):
    mesh = plsc.VectorSubcoreMesh(core_axis_name="c", subcore_axis_name="s")
    fn = functools.partial(
        pl.kernel,
        mesh=mesh,
        out_type=jax.ShapeDtypeStruct((_M, _DTAB), jnp.float32),
        scratch_types=[
            pltpu.VMEM((_CH,), jnp.int32),
            pltpu.VMEM((_CH, _DTAB), jnp.float32),
            pltpu.SemaphoreType.DMA,
        ],
    )(_sc_gather_body)
    return fn(table, idx)


_RB = 2048


def _mlp0_body(g_ref, c_ref, w_ref, b_ref, y_ref, st_ref, acc):
    i = pl.program_id(0)
    g = g_ref[...]
    cx = c_ref[...]
    dp = (g[:, 0:3] - cx) / _R
    x0 = jnp.concatenate([dp, g[:, 3:_DTAB]], axis=1)
    y = jnp.dot(x0, w_ref[...], preferred_element_type=jnp.float32)
    y = y + b_ref[...]
    s = jnp.sum(y, axis=0, keepdims=True)
    sq = jnp.sum(y * y, axis=0, keepdims=True)
    @pl.when(i == 0)
    def _():
        acc[0:1, :] = s
        acc[1:2, :] = sq
    @pl.when(i > 0)
    def _():
        acc[0:1, :] = acc[0:1, :] + s
        acc[1:2, :] = acc[1:2, :] + sq
    y_ref[...] = y
    @pl.when(i == pl.num_programs(0) - 1)
    def _():
        st_ref[...] = acc[...]


def _mlp_mid_body(y_ref, st_in_ref, ga_ref, be_ref, w_ref, b_ref,
                  y_out_ref, st_ref, acc):
    i = pl.program_id(0)
    mean = st_in_ref[0:1, :] / _M
    var = st_in_ref[1:2, :] / _M - mean * mean
    scale = ga_ref[...] / jnp.sqrt(var + _EPS)
    shift = be_ref[...] - mean * scale
    h = jnp.maximum(y_ref[...] * scale + shift, 0.0)
    y = jnp.dot(h, w_ref[...], preferred_element_type=jnp.float32)
    y = y + b_ref[...]
    s = jnp.sum(y, axis=0, keepdims=True)
    sq = jnp.sum(y * y, axis=0, keepdims=True)
    @pl.when(i == 0)
    def _():
        acc[0:1, :] = s
        acc[1:2, :] = sq
    @pl.when(i > 0)
    def _():
        acc[0:1, :] = acc[0:1, :] + s
        acc[1:2, :] = acc[1:2, :] + sq
    y_out_ref[...] = y
    @pl.when(i == pl.num_programs(0) - 1)
    def _():
        st_ref[...] = acc[...]


def _mlp_final_body(y_ref, st_in_ref, ga_ref, be_ref, out_ref):
    mean = st_in_ref[0:1, :] / _M
    var = st_in_ref[1:2, :] / _M - mean * mean
    scale = ga_ref[...] / jnp.sqrt(var + _EPS)
    shift = be_ref[...] - mean * scale
    h = jnp.maximum(y_ref[...] * scale + shift, 0.0)
    h3 = h.reshape(_RB // _K, _K, h.shape[1])
    out_ref[...] = jnp.max(h3, axis=1)


def _run_mlp(g, cexp, params):
    (w0, b0, g0, be0), (w1, b1, g1, be1), (w2, b2, g2, be2) = params
    nsteps = _M // _RB
    w0p = jnp.zeros((_DTAB, 32), jnp.float32).at[0:35, :].set(w0.T)

    y0, st0 = pl.pallas_call(
        _mlp0_body,
        grid=(nsteps,),
        in_specs=[
            pl.BlockSpec((_RB, _DTAB), lambda i: (i, 0)),
            pl.BlockSpec((_RB, 3), lambda i: (i, 0)),
            pl.BlockSpec((_DTAB, 32), lambda i: (0, 0)),
            pl.BlockSpec((1, 32), lambda i: (0, 0)),
        ],
        out_specs=[
            pl.BlockSpec((_RB, 32), lambda i: (i, 0)),
            pl.BlockSpec((2, 32), lambda i: (0, 0)),
        ],
        out_shape=[
            jax.ShapeDtypeStruct((_M, 32), jnp.float32),
            jax.ShapeDtypeStruct((2, 32), jnp.float32),
        ],
        scratch_shapes=[pltpu.VMEM((2, 32), jnp.float32)],
    )(g, cexp, w0p, b0.reshape(1, 32))

    def mid(y_in, st_in, ga, be, w, b, cout):
        return pl.pallas_call(
            _mlp_mid_body,
            grid=(nsteps,),
            in_specs=[
                pl.BlockSpec((_RB, y_in.shape[1]), lambda i: (i, 0)),
                pl.BlockSpec((2, y_in.shape[1]), lambda i: (0, 0)),
                pl.BlockSpec((1, y_in.shape[1]), lambda i: (0, 0)),
                pl.BlockSpec((1, y_in.shape[1]), lambda i: (0, 0)),
                pl.BlockSpec((y_in.shape[1], cout), lambda i: (0, 0)),
                pl.BlockSpec((1, cout), lambda i: (0, 0)),
            ],
            out_specs=[
                pl.BlockSpec((_RB, cout), lambda i: (i, 0)),
                pl.BlockSpec((2, cout), lambda i: (0, 0)),
            ],
            out_shape=[
                jax.ShapeDtypeStruct((_M, cout), jnp.float32),
                jax.ShapeDtypeStruct((2, cout), jnp.float32),
            ],
            scratch_shapes=[pltpu.VMEM((2, cout), jnp.float32)],
        )(y_in, st_in, ga.reshape(1, -1), be.reshape(1, -1), w.T, b.reshape(1, -1))

    y1, st1 = mid(y0, st0, g0, be0, w1, b1, 32)
    y2, st2 = mid(y1, st1, g1, be1, w2, b2, 64)

    out = pl.pallas_call(
        _mlp_final_body,
        grid=(nsteps,),
        in_specs=[
            pl.BlockSpec((_RB, 64), lambda i: (i, 0)),
            pl.BlockSpec((2, 64), lambda i: (0, 0)),
            pl.BlockSpec((1, 64), lambda i: (0, 0)),
            pl.BlockSpec((1, 64), lambda i: (0, 0)),
        ],
        out_specs=pl.BlockSpec((_RB // _K, 64), lambda i: (i, 0)),
        out_shape=jax.ShapeDtypeStruct((_M // _K, 64), jnp.float32),
    )(y2, st2, g2.reshape(1, 64), be2.reshape(1, 64))
    return out


def kernel(xyz, feats, W0, b0, gamma0, beta0, W1, b1, gamma1, beta1,
           W2, b2, gamma2, beta2):
    cent, new_xyz = _run_fps(xyz)
    idx = _run_ball_query(xyz, new_xyz)
    table = jnp.zeros((_B * _N, _DTAB), jnp.float32)
    table = table.at[:, 0:3].set(xyz.reshape(_B * _N, 3))
    table = table.at[:, 3:3 + _CIN].set(feats.reshape(_B * _N, _CIN))
    g = _run_gather(table, idx)
    cexp = jnp.broadcast_to(new_xyz[:, :, None, :], (_B, _S, _K, 3)).reshape(_M, 3)
    params = [(W0, b0, gamma0, beta0), (W1, b1, gamma1, beta1),
              (W2, b2, gamma2, beta2)]
    new_feats = _run_mlp(g, cexp, params).reshape(_B, _S, 64)
    return (new_xyz, new_feats)

# --- scband reference (transcript-rebuilt; emitter-appended) ---
"""Pipeline reference for scband-set-abstraction-block-33079838113812 (READ-ONLY COPY).

The authoritative reference and input builder live on the scoring server;
editing this copy changes nothing except your own understanding.
"""

import jax, jax.numpy as jnp
import numpy as np

B, N, C_IN = 4, 8192, 32
NPOINT = 1024
RADIUS = 0.2
NSAMPLE = 32
MLP_CHANNELS = [C_IN + 3, 32, 32, 64]
EPS = 1e-5


def index_points(points, idx):
    b = points.shape[0]
    bidx = jnp.arange(b).reshape((b,) + (1,) * (idx.ndim - 1))
    return points[bidx, idx]


def farthest_point_sample(xyz, npoint):
    xyz = jax.lax.stop_gradient(xyz)
    b, n, _ = xyz.shape

    def body(i, state):
        centroids, distance, farthest = state
        centroids = centroids.at[:, i].set(farthest)
        centroid = index_points(xyz, farthest[:, None])
        d = jnp.sum((xyz - centroid) ** 2, axis=-1)
        distance = jnp.minimum(distance, d)
        farthest = jnp.argmax(distance, axis=-1).astype(jnp.int32)
        return (centroids, distance, farthest)

    centroids = jnp.zeros((b, npoint), dtype=jnp.int32)
    distance = jnp.full((b, n), 1e10, dtype=jnp.float32)
    farthest = jnp.zeros((b,), dtype=jnp.int32)
    centroids, _, _ = jax.lax.fori_loop(0, npoint, body, (centroids, distance, farthest))
    return centroids


def ball_query(radius, nsample, xyz, new_xyz):
    b, n, _ = xyz.shape
    s = new_xyz.shape[1]
    sqr = (jnp.sum(new_xyz ** 2, axis=-1)[:, :, None]
           + jnp.sum(xyz ** 2, axis=-1)[:, None, :]
           - 2.0 * jnp.einsum('bsd,bnd->bsn', new_xyz, xyz))
    gidx = jnp.broadcast_to(jnp.arange(n, dtype=jnp.int32)[None, None, :], (b, s, n))
    gidx = jnp.where(sqr > radius ** 2, n, gidx)
    gidx = jnp.sort(gidx, axis=-1)[:, :, :nsample]
    gfirst = jnp.broadcast_to(gidx[:, :, :1], (b, s, nsample))
    gidx = jnp.where(gidx == n, gfirst, gidx)
    return gidx


def shared_mlp(x, params):
    # SharedMLP2d: stacked (Conv2d 1x1 -> BatchNorm2d (train-mode batch stats) -> ReLU)
    for (w, bb, g, be) in params:
        x = jnp.einsum('oc,bckt->bokt', w, x) + bb[None, :, None, None]
        mean = jnp.mean(x, axis=(0, 2, 3), keepdims=True)
        var = jnp.mean((x - mean) ** 2, axis=(0, 2, 3), keepdims=True)
        x = (x - mean) / jnp.sqrt(var + EPS)
        x = x * g[None, :, None, None] + be[None, :, None, None]
        x = jax.nn.relu(x)
    return x


def setup_inputs(seed: int = 0):
    key = jax.random.key(seed)
    k1, k2, kw = jax.random.split(key, 3)
    inp = {
        'xyz': jax.random.uniform(k1, (B, N, 3), dtype=jnp.float32),
        'feats': jax.random.normal(k2, (B, N, C_IN), dtype=jnp.float32),
    }
    for i in range(len(MLP_CHANNELS) - 1):
        cin, cout = MLP_CHANNELS[i], MLP_CHANNELS[i + 1]
        kw, ka, kb = jax.random.split(kw, 3)
        bound = 1.0 / np.sqrt(cin)
        inp['W%d' % i] = jax.random.uniform(ka, (cout, cin), minval=-bound, maxval=bound, dtype=jnp.float32)
        inp['b%d' % i] = jax.random.uniform(kb, (cout,), minval=-bound, maxval=bound, dtype=jnp.float32)
        inp['gamma%d' % i] = jnp.ones((cout,), dtype=jnp.float32)
        inp['beta%d' % i] = jnp.zeros((cout,), dtype=jnp.float32)
    return inp


def reference(xyz, feats, W0, b0, gamma0, beta0, W1, b1, gamma1, beta1, W2, b2, gamma2, beta2):
    center_idx = farthest_point_sample(xyz, NPOINT)
    new_xyz = index_points(xyz, center_idx)
    idx = ball_query(RADIUS, NSAMPLE, jax.lax.stop_gradient(xyz), jax.lax.stop_gradient(new_xyz))
    grouped_xyz = index_points(xyz, idx)
    grouped_dp = (grouped_xyz - new_xyz[:, :, None, :]) / RADIUS
    grouped_feats = index_points(feats, idx)
    grouped = jnp.concatenate([grouped_dp, grouped_feats], axis=-1)
    x = jnp.transpose(grouped, (0, 3, 2, 1))
    params = [(W0, b0, gamma0, beta0), (W1, b1, gamma1, beta1), (W2, b2, gamma2, beta2)]
    x = shared_mlp(x, params)
    x = jnp.max(x, axis=2)
    new_feats = jnp.transpose(x, (0, 2, 1))
    return (new_xyz, new_feats)

if __name__ == "__main__":
    import jax
    _d = setup_inputs()
    print(jax.jit(kernel)(*tuple(_d.values())))

</pallas_src>

<mosaic_0001>
#map = affine_map<(d0, d1) -> (0, 0)>
#map1 = affine_map<(d0, d1) -> (0)>
module attributes {stable_mosaic.version = 14 : i64} {
  func.func @_sc_gather_body(%arg0: i32, %arg1: i32, %arg2: memref<32768x128xf32, #tpu.memory_space<hbm>>, %arg3: memref<131072xi32, #tpu.memory_space<hbm>>, %arg4: memref<131072x128xf32, #tpu.memory_space<hbm>>, %arg5: memref<512xi32, #tpu.memory_space<vmem>>, %arg6: memref<512x128xf32, #tpu.memory_space<vmem>>, %arg7: memref<!tpu.dma_semaphore, #tpu.memory_space<semaphore_mem>>) attributes {dimension_semantics = [#tpu.dimension_semantics<core_parallel>, #tpu.dimension_semantics<subcore_parallel>], iteration_bounds = array<i64: 2, 16>, scalar_prefetch = 0 : i64, scratch_operands = 3 : i64, tpu.core_type = #tpu.core_type<sc_vector_subcore>, window_params = [{transform_indices = #map}, {transform_indices = #map1}, {transform_indices = #map}]} {
    %mul3A = arith.constant 2 : i32
    %mul3A_0 = arith.muli %arg1, %mul3A : i32
    %add3A = arith.addi %mul3A_0, %arg0 : i32
    %mul3A_1 = arith.constant 4096 : i32
    %mul3A_2 = arith.muli %add3A, %mul3A_1 : i32
    %scan3A = arith.constant 0 : i32
    %scan3A_3 = arith.constant 0 : i32
    %scan3A_4 = arith.constant 8 : i32
    %scan3A_5 = arith.addi %scan3A_3, %scan3A_4 : i32
    %scan3A_6 = arith.constant 1 : i32
    scf.for %scan3A_8 = %scan3A_3 to %scan3A_5 step %scan3A_6  : i32 {
      %mul3A_9 = arith.constant 512 : i32
      %mul3A_10 = arith.muli %scan3A_8, %mul3A_9 : i32
      %add3A_11 = arith.addi %mul3A_2, %mul3A_10 : i32
      "tpu.region"() ({
        %run_scoped3A = tpu.sem_alloc : memref<!tpu.dma_semaphore, #tpu.memory_space<semaphore_mem>>
        %dma_start3A_16 = tpu.memref_slice %arg3[%add3A_11] : memref<131072xi32, #tpu.memory_space<hbm>> -> memref<512xi32, #tpu.memory_space<hbm>>
        %dma_start3A_17 = tpu.memref_slice %arg3[%add3A_11] : memref<131072xi32, #tpu.memory_space<hbm>> -> memref<512xi32, #tpu.memory_space<hbm>>
        tpu.enqueue_dma source(%dma_start3A_17 : memref<512xi32, #tpu.memory_space<hbm>>) target(%arg5 : memref<512xi32, #tpu.memory_space<vmem>>) target_semaphore(%run_scoped3A : memref<!tpu.dma_semaphore, #tpu.memory_space<semaphore_mem>>)
        %dma_wait3A_18 = tpu.memref_slice %arg3[%add3A_11] : memref<131072xi32, #tpu.memory_space<hbm>> -> memref<512xi32, #tpu.memory_space<hbm>>
        %dma_wait3A_19 = tpu.memref_slice %arg3[%add3A_11] : memref<131072xi32, #tpu.memory_space<hbm>> -> memref<512xi32, #tpu.memory_space<hbm>>
        tpu.wait_dma2 semaphore(%run_scoped3A : memref<!tpu.dma_semaphore, #tpu.memory_space<semaphore_mem>>) src(%dma_wait3A_19 : memref<512xi32, #tpu.memory_space<hbm>>) dst(%arg5 : memref<512xi32, #tpu.memory_space<vmem>>)
        tpu.yield
      }) : () -> ()
      %dma_start3A = arith.constant 0 : i32
      %dma_start3A_12 = arith.constant 0 : i32
      %dma_start3A_13 = tpu.memref_slice %arg2[%dma_start3A, %dma_start3A_12] : memref<32768x128xf32, #tpu.memory_space<hbm>> -> memref<32768x128xf32, #tpu.memory_space<hbm>>
      tpu.enqueue_indirect_dma source(%dma_start3A_13 : memref<32768x128xf32, #tpu.memory_space<hbm>>) target(%arg6 : memref<512x128xf32, #tpu.memory_space<vmem>>) offsets(%arg5 : memref<512xi32, #tpu.memory_space<vmem>>) semaphore(%arg7 : memref<!tpu.dma_semaphore, #tpu.memory_space<semaphore_mem>>)
      %dma_wait3A = arith.constant 0 : i32
      %dma_wait3A_14 = arith.constant 0 : i32
      %dma_wait3A_15 = tpu.memref_slice %arg2[%dma_wait3A, %dma_wait3A_14] : memref<32768x128xf32, #tpu.memory_space<hbm>> -> memref<32768x128xf32, #tpu.memory_space<hbm>>
      tpu.wait_indirect_dma semaphore(%arg7 : memref<!tpu.dma_semaphore, #tpu.memory_space<semaphore_mem>>) src(%dma_wait3A_15 : memref<32768x128xf32, #tpu.memory_space<hbm>>) dst(%arg6 : memref<512x128xf32, #tpu.memory_space<vmem>>)
      "tpu.region"() ({
        %run_scoped3A = tpu.sem_alloc : memref<!tpu.dma_semaphore, #tpu.memory_space<semaphore_mem>>
        %dma_start3A_16 = arith.constant 0 : i32
        %dma_start3A_17 = tpu.memref_slice %arg4[%add3A_11, %dma_start3A_16] : memref<131072x128xf32, #tpu.memory_space<hbm>> -> memref<512x128xf32, #tpu.memory_space<hbm>>
        %dma_start3A_18 = arith.constant 0 : i32
        %dma_start3A_19 = tpu.memref_slice %arg4[%add3A_11, %dma_start3A_18] : memref<131072x128xf32, #tpu.memory_space<hbm>> -> memref<512x128xf32, #tpu.memory_space<hbm>>
        tpu.enqueue_dma source(%arg6 : memref<512x128xf32, #tpu.memory_space<vmem>>) target(%dma_start3A_19 : memref<512x128xf32, #tpu.memory_space<hbm>>) target_semaphore(%run_scoped3A : memref<!tpu.dma_semaphore, #tpu.memory_space<semaphore_mem>>)
        %dma_wait3A_20 = arith.constant 0 : i32
        %dma_wait3A_21 = tpu.memref_slice %arg4[%add3A_11, %dma_wait3A_20] : memref<131072x128xf32, #tpu.memory_space<hbm>> -> memref<512x128xf32, #tpu.memory_space<hbm>>
        %dma_wait3A_22 = arith.constant 0 : i32
        %dma_wait3A_23 = tpu.memref_slice %arg4[%add3A_11, %dma_wait3A_22] : memref<131072x128xf32, #tpu.memory_space<hbm>> -> memref<512x128xf32, #tpu.memory_space<hbm>>
        tpu.wait_dma2 semaphore(%run_scoped3A : memref<!tpu.dma_semaphore, #tpu.memory_space<semaphore_mem>>) src(%arg6 : memref<512x128xf32, #tpu.memory_space<vmem>>) dst(%dma_wait3A_23 : memref<512x128xf32, #tpu.memory_space<hbm>>)
        tpu.yield
      }) : () -> ()
    }
    %scan3A_7 = arith.constant 8 : i32
    return
  }
}

module attributes {stable_mosaic.version = 14 : i64} {
  func.func @_fps_body(%arg0: i32, %arg1: memref<4x8192x3xf32, #tpu.memory_space<vmem>>, %arg2: memref<4x3x64x128xf32, #tpu.memory_space<vmem>>, %arg3: memref<4x8x128xi32, #tpu.memory_space<vmem>>, %arg4: memref<4x1024x3xf32, #tpu.memory_space<vmem>>) attributes {dimension_semantics = [#tpu.dimension_semantics<arbitrary>], iteration_bounds = array<i64: 1>, scalar_prefetch = 0 : i64, scratch_operands = 0 : i64, tpu.core_type = #tpu.core_type<tc>, window_params = [{pipeline_mode = #tpu.pipeline_mode<synchronous>, transform_indices = @transform_0, window_bounds = array<i64: 4, 8192, 3>}, {pipeline_mode = #tpu.pipeline_mode<synchronous>, transform_indices = @transform_1, window_bounds = array<i64: 4, 3, 64, 128>}, {pipeline_mode = #tpu.pipeline_mode<synchronous>, transform_indices = @transform_2, window_bounds = array<i64: 4, 8, 128>}, {pipeline_mode = #tpu.pipeline_mode<synchronous>, transform_indices = @transform_3, window_bounds = array<i64: 4, 1024, 3>}]} {
    %iota3A = tpu.iota {dimensions = array<i32: 1>} : vector<4x64x128xi32>
    %mul3A = arith.constant 128 : i32
    %mul3A_0 = vector.broadcast %mul3A : i32 to vector<4x64x128xi32>
    %mul3A_1 = arith.muli %iota3A, %mul3A_0 : vector<4x64x128xi32>
    %iota3A_2 = tpu.iota {dimensions = array<i32: 2>} : vector<4x64x128xi32>
    %add3A = arith.addi %mul3A_1, %iota3A_2 : vector<4x64x128xi32>
    %iota3A_3 = tpu.iota {dimensions = array<i32: 1>} : vector<4x8x128xi32>
    %mul3A_4 = arith.constant 128 : i32
    %mul3A_5 = vector.broadcast %mul3A_4 : i32 to vector<4x8x128xi32>
    %mul3A_6 = arith.muli %iota3A_3, %mul3A_5 : vector<4x8x128xi32>
    %iota3A_7 = tpu.iota {dimensions = array<i32: 2>} : vector<4x8x128xi32>
    %add3A_8 = arith.addi %mul3A_6, %iota3A_7 : vector<4x8x128xi32>
    %get3A = arith.constant 0 : index
    %get3A_9 = arith.constant 0 : index
    %get3A_10 = arith.constant 0 : index
    %get3A_11 = arith.constant 0 : index
    %get3A_12 = vector.load %arg2[%get3A, %get3A_9, %get3A_10, %get3A_11] : memref<4x3x64x128xf32, #tpu.memory_space<vmem>>, vector<4x1x64x128xf32>
    %get3A_13 = vector.shape_cast %get3A_12 : vector<4x1x64x128xf32> to vector<4x64x128xf32>
    %get3A_14 = arith.constant 0 : index
    %get3A_15 = arith.constant 1 : index
    %get3A_16 = arith.constant 0 : index
    %get3A_17 = arith.constant 0 : index
    %get3A_18 = vector.load %arg2[%get3A_14, %get3A_15, %get3A_16, %get3A_17] : memref<4x3x64x128xf32, #tpu.memory_space<vmem>>, vector<4x1x64x128xf32>
    %get3A_19 = vector.shape_cast %get3A_18 : vector<4x1x64x128xf32> to vector<4x64x128xf32>
    %get3A_20 = arith.constant 0 : index
    %get3A_21 = arith.constant 2 : index
    %get3A_22 = arith.constant 0 : index
    %get3A_23 = arith.constant 0 : index
    %get3A_24 = vector.load %arg2[%get3A_20, %get3A_21, %get3A_22, %get3A_23] : memref<4x3x64x128xf32, #tpu.memory_space<vmem>>, vector<4x1x64x128xf32>
    %get3A_25 = vector.shape_cast %get3A_24 : vector<4x1x64x128xf32> to vector<4x64x128xf32>
    %broadcast_in_dim3A = arith.constant 0 : i32
    %broadcast_in_dim3A_26 = vector.broadcast %broadcast_in_dim3A : i32 to vector<4x8x128xi32>
    %broadcast_in_dim3A_27 = arith.constant 1.000000e+10 : f32
    %broadcast_in_dim3A_28 = vector.broadcast %broadcast_in_dim3A_27 : f32 to vector<4x64x128xf32>
    %get3A_29 = arith.constant 0 : index
    %get3A_30 = arith.constant 0 : index
    %get3A_31 = arith.constant 0 : index
    %get3A_32 = vector.load %arg1[%get3A_29, %get3A_30, %get3A_31] : memref<4x8192x3xf32, #tpu.memory_space<vmem>>, vector<4x1x1xf32>
    %get3A_33 = arith.constant 0 : index
    %get3A_34 = arith.constant 0 : index
    %get3A_35 = arith.constant 1 : index
    %get3A_36 = vector.load %arg1[%get3A_33, %get3A_34, %get3A_35] : memref<4x8192x3xf32, #tpu.memory_space<vmem>>, vector<4x1x1xf32>
    %get3A_37 = arith.constant 0 : index
    %get3A_38 = arith.constant 0 : index
    %get3A_39 = arith.constant 2 : index
    %get3A_40 = vector.load %arg1[%get3A_37, %get3A_38, %get3A_39] : memref<4x8192x3xf32, #tpu.memory_space<vmem>>, vector<4x1x1xf32>
    %broadcast_in_dim3A_41 = arith.constant 0 : i32
    %broadcast_in_dim3A_42 = vector.broadcast %broadcast_in_dim3A_41 : i32 to vector<4x1x1xi32>
    %scan3A = arith.constant 0 : i32
    %scan3A_43 = arith.constant 1024 : i32
    %scan3A_44 = arith.addi %scan3A, %scan3A_43 : i32
    %scan3A_45 = arith.constant 1 : i32
    %scan3A_46:6 = scf.for %scan3A_51 = %scan3A to %scan3A_44 step %scan3A_45 iter_args(%scan3A_52 = %broadcast_in_dim3A_26, %scan3A_53 = %broadcast_in_dim3A_28, %scan3A_54 = %get3A_32, %scan3A_55 = %get3A_36, %scan3A_56 = %get3A_40, %scan3A_57 = %broadcast_in_dim3A_42) -> (vector<4x8x128xi32>, vector<4x64x128xf32>, vector<4x1x1xf32>, vector<4x1x1xf32>, vector<4x1x1xf32>, vector<4x1x1xi32>)  : i32 {
      %eq3A = vector.broadcast %scan3A_51 : i32 to vector<4x8x128xi32>
      %eq3A_58 = arith.cmpi eq, %add3A_8, %eq3A : vector<4x8x128xi32>
      %broadcast_in_dim3A_59 = vector.shape_cast %scan3A_57 : vector<4x1x1xi32> to vector<4x1x1xi32>
      %broadcast_in_dim3A_60 = vector.broadcast %broadcast_in_dim3A_59 : vector<4x1x1xi32> to vector<4x8x128xi32>
      %select_n3A = arith.select %eq3A_58, %broadcast_in_dim3A_60, %scan3A_52 : vector<4x8x128xi1>, vector<4x8x128xi32>
      %concatenate3A = tpu.concatenate %scan3A_54, %scan3A_55, %scan3A_56 in 2 : vector<4x1x1xf32>, vector<4x1x1xf32>, vector<4x1x1xf32> -> vector<4x1x3xf32>
      %swap3A_61 = arith.constant 0 : index
      %swap3A_62 = arith.index_cast %scan3A_51 : i32 to index
      %swap3A_63 = arith.constant 0 : index
      %swap3A_64 = vector.load %arg4[%swap3A_61, %swap3A_62, %swap3A_63] : memref<4x1024x3xf32, #tpu.memory_space<vmem>>, vector<4x1x3xf32>
      tpu.vector_store %arg4[%swap3A_61, %swap3A_62, %swap3A_63], %concatenate3A {strides = array<i32>} : memref<4x1024x3xf32, #tpu.memory_space<vmem>>, vector<4x1x3xf32>,
      %sub3A = vector.broadcast %scan3A_54 : vector<4x1x1xf32> to vector<4x64x128xf32>
      %sub3A_65 = arith.subf %get3A_13, %sub3A : vector<4x64x128xf32>
      %sub3A_66 = vector.broadcast %scan3A_55 : vector<4x1x1xf32> to vector<4x64x128xf32>
      %sub3A_67 = arith.subf %get3A_19, %sub3A_66 : vector<4x64x128xf32>
      %sub3A_68 = vector.broadcast %scan3A_56 : vector<4x1x1xf32> to vector<4x64x128xf32>
      %sub3A_69 = arith.subf %get3A_25, %sub3A_68 : vector<4x64x128xf32>
      %mul3A_70 = arith.mulf %sub3A_65, %sub3A_65 : vector<4x64x128xf32>
      %mul3A_71 = arith.mulf %sub3A_67, %sub3A_67 : vector<4x64x128xf32>
      %add3A_72 = arith.addf %mul3A_70, %mul3A_71 : vector<4x64x128xf32>
      %mul3A_73 = arith.mulf %sub3A_69, %sub3A_69 : vector<4x64x128xf32>
      %add3A_74 = arith.addf %add3A_72, %mul3A_73 : vector<4x64x128xf32>
      %min3A = arith.minimumf %scan3A_53, %add3A_74 : vector<4x64x128xf32>
      %reduce_max3A = arith.constant dense<0xFF800000> : vector<4xf32>
      %reduce_max3A_75 = vector.multi_reduction <maximumf>, %min3A, %reduce_max3A [1, 2] : vector<4x64x128xf32> to vector<4xf32>
      %broadcast_in_dim3A_76 = vector.shape_cast %reduce_max3A_75 : vector<4xf32> to vector<4x1x1xf32>
      %eq3A_77 = vector.broadcast %broadcast_in_dim3A_76 : vector<4x1x1xf32> to vector<4x64x128xf32>
      %eq3A_78 = arith.cmpf oeq, %min3A, %eq3A_77 : vector<4x64x128xf32>
      %jit3A = arith.constant 8192 : i32
      %broadcast_in_dim3A_79 = vector.broadcast %jit3A : i32 to vector<4x64x128xi32>
      %select_n3A_80 = arith.select %eq3A_78, %add3A, %broadcast_in_dim3A_79 : vector<4x64x128xi1>, vector<4x64x128xi32>
      %reduce_min3A = arith.constant dense<2147483647> : vector<4xi32>
      %reduce_min3A_81 = vector.multi_reduction <minsi>, %select_n3A_80, %reduce_min3A [1, 2] : vector<4x64x128xi32> to vector<4xi32>
      %broadcast_in_dim3A_82 = vector.shape_cast %reduce_min3A_81 : vector<4xi32> to vector<4x1x1xi32>
      %jit3A_83 = arith.constant -1.000000e+30 : f32
      %broadcast_in_dim3A_84 = vector.broadcast %jit3A_83 : f32 to vector<4x64x128xf32>
      %select_n3A_85 = arith.select %eq3A_78, %get3A_13, %broadcast_in_dim3A_84 : vector<4x64x128xi1>, vector<4x64x128xf32>
      %reduce_max3A_86 = arith.constant dense<0xFF800000> : vector<4xf32>
      %reduce_max3A_87 = vector.multi_reduction <maximumf>, %select_n3A_85, %reduce_max3A_86 [1, 2] : vector<4x64x128xf32> to vector<4xf32>
      %broadcast_in_dim3A_88 = vector.shape_cast %reduce_max3A_87 : vector<4xf32> to vector<4x1x1xf32>
      %jit3A_89 = arith.constant -1.000000e+30 : f32
      %broadcast_in_dim3A_90 = vector.broadcast %jit3A_89 : f32 to vector<4x64x128xf32>
      %select_n3A_91 = arith.select %eq3A_78, %get3A_19, %broadcast_in_dim3A_90 : vector<4x64x128xi1>, vector<4x64x128xf32>
      %reduce_max3A_92 = arith.constant dense<0xFF800000> : vector<4xf32>
      %reduce_max3A_93 = vector.multi_reduction <maximumf>, %select_n3A_91, %reduce_max3A_92 [1, 2] : vector<4x64x128xf32> to vector<4xf32>
      %broadcast_in_dim3A_94 = vector.shape_cast %reduce_max3A_93 : vector<4xf32> to vector<4x1x1xf32>
      %jit3A_95 = arith.constant -1.000000e+30 : f32
      %broadcast_in_dim3A_96 = vector.broadcast %jit3A_95 : f32 to vector<4x64x128xf32>
      %select_n3A_97 = arith.select %eq3A_78, %get3A_25, %broadcast_in_dim3A_96 : vector<4x64x128xi1>, vector<4x64x128xf32>
      %reduce_max3A_98 = arith.constant dense<0xFF800000> : vector<4xf32>
      %reduce_max3A_99 = vector.multi_reduction <maximumf>, %select_n3A_97, %reduce_max3A_98 [1, 2] : vector<4x64x128xf32> to vector<4xf32>
      %broadcast_in_dim3A_100 = vector.shape_cast %reduce_max3A_99 : vector<4xf32> to vector<4x1x1xf32>
      scf.yield %select_n3A, %min3A, %broadcast_in_dim3A_88, %broadcast_in_dim3A_94, %broadcast_in_dim3A_100, %broadcast_in_dim3A_82 : vector<4x8x128xi32>, vector<4x64x128xf32>, vector<4x1x1xf32>, vector<4x1x1xf32>, vector<4x1x1xf32>, vector<4x1x1xi32>
    }
    %scan3A_47 = arith.constant 1024 : i32
    %swap3A = arith.constant 0 : index
    %swap3A_48 = arith.constant 0 : index
    %swap3A_49 = arith.constant 0 : index
    %swap3A_50 = vector.load %arg3[%swap3A, %swap3A_48, %swap3A_49] : memref<4x8x128xi32, #tpu.memory_space<vmem>>, vector<4x8x128xi32>
    tpu.vector_store %arg3[%swap3A, %swap3A_48, %swap3A_49], %scan3A_46#0 {strides = array<i32>} : memref<4x8x128xi32, #tpu.memory_space<vmem>>, vector<4x8x128xi32>,
    return
  }
  func.func @transform_0(%arg0: i32) -> (i32, i32, i32) {
    %c0_i32 = arith.constant 0 : i32
    %c0_i32_0 = arith.constant 0 : i32
    %c0_i32_1 = arith.constant 0 : i32
    %c0_i32_2 = arith.constant 0 : i32
    return %c0_i32, %c0_i32_0, %c0_i32_1 : i32, i32, i32
  }
  func.func @transform_1(%arg0: i32) -> (i32, i32, i32, i32) {
    %c0_i32 = arith.constant 0 : i32
    %c0_i32_0 = arith.constant 0 : i32
    %c0_i32_1 = arith.constant 0 : i32
    %c0_i32_2 = arith.constant 0 : i32
    %c0_i32_3 = arith.constant 0 : i32
    return %c0_i32, %c0_i32_0, %c0_i32_1, %c0_i32_2 : i32, i32, i32, i32
  }
  func.func @transform_2(%arg0: i32) -> (i32, i32, i32) {
    %c0_i32 = arith.constant 0 : i32
    %c0_i32_0 = arith.constant 0 : i32
    %c0_i32_1 = arith.constant 0 : i32
    %c0_i32_2 = arith.constant 0 : i32
    return %c0_i32, %c0_i32_0, %c0_i32_1 : i32, i32, i32
  }
  func.func @transform_3(%arg0: i32) -> (i32, i32, i32) {
    %c0_i32 = arith.constant 0 : i32
    %c0_i32_0 = arith.constant 0 : i32
    %c0_i32_1 = arith.constant 0 : i32
    %c0_i32_2 = arith.constant 0 : i32
    return %c0_i32, %c0_i32_0, %c0_i32_1 : i32, i32, i32
  }
}

module attributes {stable_mosaic.version = 14 : i64} {
  func.func @_bq_body(%arg0: i32, %arg1: i32, %arg2: memref<1x3x8192xf32, #tpu.memory_space<vmem>>, %arg3: memref<1x1x128x3xf32, #tpu.memory_space<vmem>>, %arg4: memref<1x1x128x32xi32, #tpu.memory_space<vmem>>) attributes {dimension_semantics = [#tpu.dimension_semantics<arbitrary>, #tpu.dimension_semantics<arbitrary>], iteration_bounds = array<i64: 4, 8>, scalar_prefetch = 0 : i64, scratch_operands = 0 : i64, tpu.core_type = #tpu.core_type<tc>, window_params = [{transform_indices = @transform_0, window_bounds = array<i64: 1, 3, 8192>}, {transform_indices = @transform_1, window_bounds = array<i64: 1, 1, 128, 3>}, {transform_indices = @transform_2, window_bounds = array<i64: 1, 1, 128, 32>}]} {
    %get3A = arith.constant 0 : index
    %get3A_0 = arith.constant 0 : index
    %get3A_1 = arith.constant 0 : index
    %get3A_2 = vector.load %arg2[%get3A, %get3A_0, %get3A_1] : memref<1x3x8192xf32, #tpu.memory_space<vmem>>, vector<1x3x8192xf32>
    %get3A_3 = vector.shape_cast %get3A_2 : vector<1x3x8192xf32> to vector<3x8192xf32>
    %get3A_4 = arith.constant 0 : index
    %get3A_5 = arith.constant 0 : index
    %get3A_6 = arith.constant 0 : index
    %get3A_7 = arith.constant 0 : index
    %get3A_8 = vector.load %arg3[%get3A_4, %get3A_5, %get3A_6, %get3A_7] : memref<1x1x128x3xf32, #tpu.memory_space<vmem>>, vector<1x1x128x3xf32>
    %get3A_9 = vector.shape_cast %get3A_8 : vector<1x1x128x3xf32> to vector<128x3xf32>
    %mul3A = arith.mulf %get3A_3, %get3A_3 : vector<3x8192xf32>
    %reduce_sum3A = arith.constant dense<0.000000e+00> : vector<8192xf32>
    %reduce_sum3A_10 = vector.multi_reduction <add>, %mul3A, %reduce_sum3A [0] : vector<3x8192xf32> to vector<8192xf32>
    %broadcast_in_dim3A = vector.shape_cast %reduce_sum3A_10 : vector<8192xf32> to vector<1x8192xf32>
    %mul3A_11 = arith.mulf %get3A_9, %get3A_9 : vector<128x3xf32>
    %reduce_sum3A_12 = arith.constant dense<0.000000e+00> : vector<128xf32>
    %reduce_sum3A_13 = vector.multi_reduction <add>, %mul3A_11, %reduce_sum3A_12 [1] : vector<128x3xf32> to vector<128xf32>
    %broadcast_in_dim3A_14 = vector.shape_cast %reduce_sum3A_13 : vector<128xf32> to vector<128x1xf32>
    %dot_general3A = arith.constant dense<0.000000e+00> : vector<128x8192xf32>
    %dot_general3A_15 = tpu.matmul %get3A_9, %get3A_3, %dot_general3A {dimension_numbers = #tpu.dot_dimension_numbers<[1], [0], [0], [1], [0, 0, 1, 1], [], []>, transpose_lhs_hint = false} : vector<128x3xf32>, vector<3x8192xf32>, vector<128x8192xf32> -> vector<128x8192xf32>
    %add3A = vector.broadcast %broadcast_in_dim3A_14 : vector<128x1xf32> to vector<128x8192xf32>
    %add3A_16 = vector.broadcast %broadcast_in_dim3A : vector<1x8192xf32> to vector<128x8192xf32>
    %add3A_17 = arith.addf %add3A, %add3A_16 : vector<128x8192xf32>
    %mul3A_18 = arith.constant 2.000000e+00 : f32
    %mul3A_19 = vector.broadcast %mul3A_18 : f32 to vector<128x8192xf32>
    %mul3A_20 = arith.mulf %mul3A_19, %dot_general3A_15 : vector<128x8192xf32>
    %sub3A = arith.subf %add3A_17, %mul3A_20 : vector<128x8192xf32>
    %gt3A = arith.constant 4.000000e-02 : f32
    %gt3A_21 = vector.broadcast %gt3A : f32 to vector<128x8192xf32>
    %gt3A_22 = arith.cmpf ogt, %sub3A, %gt3A_21 : vector<128x8192xf32>
    %not3A = arith.constant dense<true> : vector<128x8192xi1>
    %not3A_23 = arith.xori %gt3A_22, %not3A : vector<128x8192xi1>
    %convert_element_type3A = arith.extui %not3A_23 : vector<128x8192xi1> to vector<128x8192xi32>
    %broadcast_in_dim3A_24 = arith.constant 0 : i32
    %broadcast_in_dim3A_25 = vector.broadcast %broadcast_in_dim3A_24 : i32 to vector<128x1xi32>
    %slice3A = vector.extract_strided_slice %convert_element_type3A {offsets = [0, 0], sizes = [128, 8191], strides = [1, 1]} : vector<128x8192xi32> to vector<128x8191xi32>
    %concatenate3A = tpu.concatenate %broadcast_in_dim3A_25, %slice3A in 1 : vector<128x1xi32>, vector<128x8191xi32> -> vector<128x8192xi32>
    %add3A_26 = arith.addi %convert_element_type3A, %concatenate3A : vector<128x8192xi32>
    %broadcast_in_dim3A_27 = arith.constant 0 : i32
    %broadcast_in_dim3A_28 = vector.broadcast %broadcast_in_dim3A_27 : i32 to vector<128x2xi32>
    %slice3A_29 = vector.extract_strided_slice %add3A_26 {offsets = [0, 0], sizes = [128, 8190], strides = [1, 1]} : vector<128x8192xi32> to vector<128x8190xi32>
    %concatenate3A_30 = tpu.concatenate %broadcast_in_dim3A_28, %slice3A_29 in 1 : vector<128x2xi32>, vector<128x8190xi32> -> vector<128x8192xi32>
    %add3A_31 = arith.addi %add3A_26, %concatenate3A_30 : vector<128x8192xi32>
    %broadcast_in_dim3A_32 = arith.constant 0 : i32
    %broadcast_in_dim3A_33 = vector.broadcast %broadcast_in_dim3A_32 : i32 to vector<128x4xi32>
    %slice3A_34 = vector.extract_strided_slice %add3A_31 {offsets = [0, 0], sizes = [128, 8188], strides = [1, 1]} : vector<128x8192xi32> to vector<128x8188xi32>
    %concatenate3A_35 = tpu.concatenate %broadcast_in_dim3A_33, %slice3A_34 in 1 : vector<128x4xi32>, vector<128x8188xi32> -> vector<128x8192xi32>
    %add3A_36 = arith.addi %add3A_31, %concatenate3A_35 : vector<128x8192xi32>
    %broadcast_in_dim3A_37 = arith.constant 0 : i32
    %broadcast_in_dim3A_38 = vector.broadcast %broadcast_in_dim3A_37 : i32 to vector<128x8xi32>
    %slice3A_39 = vector.extract_strided_slice %add3A_36 {offsets = [0, 0], sizes = [128, 8184], strides = [1, 1]} : vector<128x8192xi32> to vector<128x8184xi32>
    %concatenate3A_40 = tpu.concatenate %broadcast_in_dim3A_38, %slice3A_39 in 1 : vector<128x8xi32>, vector<128x8184xi32> -> vector<128x8192xi32>
    %add3A_41 = arith.addi %add3A_36, %concatenate3A_40 : vector<128x8192xi32>
    %broadcast_in_dim3A_42 = arith.constant 0 : i32
    %broadcast_in_dim3A_43 = vector.broadcast %broadcast_in_dim3A_42 : i32 to vector<128x16xi32>
    %slice3A_44 = vector.extract_strided_slice %add3A_41 {offsets = [0, 0], sizes = [128, 8176], strides = [1, 1]} : vector<128x8192xi32> to vector<128x8176xi32>
    %concatenate3A_45 = tpu.concatenate %broadcast_in_dim3A_43, %slice3A_44 in 1 : vector<128x16xi32>, vector<128x8176xi32> -> vector<128x8192xi32>
    %add3A_46 = arith.addi %add3A_41, %concatenate3A_45 : vector<128x8192xi32>
    %broadcast_in_dim3A_47 = arith.constant 0 : i32
    %broadcast_in_dim3A_48 = vector.broadcast %broadcast_in_dim3A_47 : i32 to vector<128x32xi32>
    %slice3A_49 = vector.extract_strided_slice %add3A_46 {offsets = [0, 0], sizes = [128, 8160], strides = [1, 1]} : vector<128x8192xi32> to vector<128x8160xi32>
    %concatenate3A_50 = tpu.concatenate %broadcast_in_dim3A_48, %slice3A_49 in 1 : vector<128x32xi32>, vector<128x8160xi32> -> vector<128x8192xi32>
    %add3A_51 = arith.addi %add3A_46, %concatenate3A_50 : vector<128x8192xi32>
    %broadcast_in_dim3A_52 = arith.constant 0 : i32
    %broadcast_in_dim3A_53 = vector.broadcast %broadcast_in_dim3A_52 : i32 to vector<128x64xi32>
    %slice3A_54 = vector.extract_strided_slice %add3A_51 {offsets = [0, 0], sizes = [128, 8128], strides = [1, 1]} : vector<128x8192xi32> to vector<128x8128xi32>
    %concatenate3A_55 = tpu.concatenate %broadcast_in_dim3A_53, %slice3A_54 in 1 : vector<128x64xi32>, vector<128x8128xi32> -> vector<128x8192xi32>
    %add3A_56 = arith.addi %add3A_51, %concatenate3A_55 : vector<128x8192xi32>
    %broadcast_in_dim3A_57 = arith.constant 0 : i32
    %broadcast_in_dim3A_58 = vector.broadcast %broadcast_in_dim3A_57 : i32 to vector<128x128xi32>
    %slice3A_59 = vector.extract_strided_slice %add3A_56 {offsets = [0, 0], sizes = [128, 8064], strides = [1, 1]} : vector<128x8192xi32> to vector<128x8064xi32>
    %concatenate3A_60 = tpu.concatenate %broadcast_in_dim3A_58, %slice3A_59 in 1 : vector<128x128xi32>, vector<128x8064xi32> -> vector<128x8192xi32>
    %add3A_61 = arith.addi %add3A_56, %concatenate3A_60 : vector<128x8192xi32>
    %broadcast_in_dim3A_62 = arith.constant 0 : i32
    %broadcast_in_dim3A_63 = vector.broadcast %broadcast_in_dim3A_62 : i32 to vector<128x256xi32>
    %slice3A_64 = vector.extract_strided_slice %add3A_61 {offsets = [0, 0], sizes = [128, 7936], strides = [1, 1]} : vector<128x8192xi32> to vector<128x7936xi32>
    %concatenate3A_65 = tpu.concatenate %broadcast_in_dim3A_63, %slice3A_64 in 1 : vector<128x256xi32>, vector<128x7936xi32> -> vector<128x8192xi32>
    %add3A_66 = arith.addi %add3A_61, %concatenate3A_65 : vector<128x8192xi32>
    %broadcast_in_dim3A_67 = arith.constant 0 : i32
    %broadcast_in_dim3A_68 = vector.broadcast %broadcast_in_dim3A_67 : i32 to vector<128x512xi32>
    %slice3A_69 = vector.extract_strided_slice %add3A_66 {offsets = [0, 0], sizes = [128, 7680], strides = [1, 1]} : vector<128x8192xi32> to vector<128x7680xi32>
    %concatenate3A_70 = tpu.concatenate %broadcast_in_dim3A_68, %slice3A_69 in 1 : vector<128x512xi32>, vector<128x7680xi32> -> vector<128x8192xi32>
    %add3A_71 = arith.addi %add3A_66, %concatenate3A_70 : vector<128x8192xi32>
    %broadcast_in_dim3A_72 = arith.constant 0 : i32
    %broadcast_in_dim3A_73 = vector.broadcast %broadcast_in_dim3A_72 : i32 to vector<128x1024xi32>
    %slice3A_74 = vector.extract_strided_slice %add3A_71 {offsets = [0, 0], sizes = [128, 7168], strides = [1, 1]} : vector<128x8192xi32> to vector<128x7168xi32>
    %concatenate3A_75 = tpu.concatenate %broadcast_in_dim3A_73, %slice3A_74 in 1 : vector<128x1024xi32>, vector<128x7168xi32> -> vector<128x8192xi32>
    %add3A_76 = arith.addi %add3A_71, %concatenate3A_75 : vector<128x8192xi32>
    %broadcast_in_dim3A_77 = arith.constant 0 : i32
    %broadcast_in_dim3A_78 = vector.broadcast %broadcast_in_dim3A_77 : i32 to vector<128x2048xi32>
    %slice3A_79 = vector.extract_strided_slice %add3A_76 {offsets = [0, 0], sizes = [128, 6144], strides = [1, 1]} : vector<128x8192xi32> to vector<128x6144xi32>
    %concatenate3A_80 = tpu.concatenate %broadcast_in_dim3A_78, %slice3A_79 in 1 : vector<128x2048xi32>, vector<128x6144xi32> -> vector<128x8192xi32>
    %add3A_81 = arith.addi %add3A_76, %concatenate3A_80 : vector<128x8192xi32>
    %broadcast_in_dim3A_82 = arith.constant 0 : i32
    %broadcast_in_dim3A_83 = vector.broadcast %broadcast_in_dim3A_82 : i32 to vector<128x4096xi32>
    %slice3A_84 = vector.extract_strided_slice %add3A_81 {offsets = [0, 0], sizes = [128, 4096], strides = [1, 1]} : vector<128x8192xi32> to vector<128x4096xi32>
    %concatenate3A_85 = tpu.concatenate %broadcast_in_dim3A_83, %slice3A_84 in 1 : vector<128x4096xi32>, vector<128x4096xi32> -> vector<128x8192xi32>
    %add3A_86 = arith.addi %add3A_81, %concatenate3A_85 : vector<128x8192xi32>
    %le3A = arith.constant 0 : i32
    %le3A_87 = vector.broadcast %le3A : i32 to vector<128x8192xi32>
    %le3A_88 = arith.cmpi sle, %add3A_86, %le3A_87 : vector<128x8192xi32>
    %convert_element_type3A_89 = arith.extui %le3A_88 : vector<128x8192xi1> to vector<128x8192xi32>
    %reduce_sum3A_90 = arith.constant dense<0> : vector<128xi32>
    %reduce_sum3A_91 = vector.multi_reduction <add>, %convert_element_type3A_89, %reduce_sum3A_90 [1] : vector<128x8192xi32> to vector<128xi32>
    %broadcast_in_dim3A_92 = vector.shape_cast %reduce_sum3A_91 : vector<128xi32> to vector<128x1xi32>
    %le3A_93 = arith.constant 1 : i32
    %le3A_94 = vector.broadcast %le3A_93 : i32 to vector<128x8192xi32>
    %le3A_95 = arith.cmpi sle, %add3A_86, %le3A_94 : vector<128x8192xi32>
    %convert_element_type3A_96 = arith.extui %le3A_95 : vector<128x8192xi1> to vector<128x8192xi32>
    %reduce_sum3A_97 = arith.constant dense<0> : vector<128xi32>
    %reduce_sum3A_98 = vector.multi_reduction <add>, %convert_element_type3A_96, %reduce_sum3A_97 [1] : vector<128x8192xi32> to vector<128xi32>
    %broadcast_in_dim3A_99 = vector.shape_cast %reduce_sum3A_98 : vector<128xi32> to vector<128x1xi32>
    %le3A_100 = arith.constant 2 : i32
    %le3A_101 = vector.broadcast %le3A_100 : i32 to vector<128x8192xi32>
    %le3A_102 = arith.cmpi sle, %add3A_86, %le3A_101 : vector<128x8192xi32>
    %convert_element_type3A_103 = arith.extui %le3A_102 : vector<128x8192xi1> to vector<128x8192xi32>
    %reduce_sum3A_104 = arith.constant dense<0> : vector<128xi32>
    %reduce_sum3A_105 = vector.multi_reduction <add>, %convert_element_type3A_103, %reduce_sum3A_104 [1] : vector<128x8192xi32> to vector<128xi32>
    %broadcast_in_dim3A_106 = vector.shape_cast %reduce_sum3A_105 : vector<128xi32> to vector<128x1xi32>
    %le3A_107 = arith.constant 3 : i32
    %le3A_108 = vector.broadcast %le3A_107 : i32 to vector<128x8192xi32>
    %le3A_109 = arith.cmpi sle, %add3A_86, %le3A_108 : vector<128x8192xi32>
    %convert_element_type3A_110 = arith.extui %le3A_109 : vector<128x8192xi1> to vector<128x8192xi32>
    %reduce_sum3A_111 = arith.constant dense<0> : vector<128xi32>
    %reduce_sum3A_112 = vector.multi_reduction <add>, %convert_element_type3A_110, %reduce_sum3A_111 [1] : vector<128x8192xi32> to vector<128xi32>
    %broadcast_in_dim3A_113 = vector.shape_cast %reduce_sum3A_112 : vector<128xi32> to vector<128x1xi32>
    %le3A_114 = arith.constant 4 : i32
    %le3A_115 = vector.broadcast %le3A_114 : i32 to vector<128x8192xi32>
    %le3A_116 = arith.cmpi sle, %add3A_86, %le3A_115 : vector<128x8192xi32>
    %convert_element_type3A_117 = arith.extui %le3A_116 : vector<128x8192xi1> to vector<128x8192xi32>
    %reduce_sum3A_118 = arith.constant dense<0> : vector<128xi32>
    %reduce_sum3A_119 = vector.multi_reduction <add>, %convert_element_type3A_117, %reduce_sum3A_118 [1] : vector<128x8192xi32> to vector<128xi32>
    %broadcast_in_dim3A_120 = vector.shape_cast %reduce_sum3A_119 : vector<128xi32> to vector<128x1xi32>
    %le3A_121 = arith.constant 5 : i32
    %le3A_122 = vector.broadcast %le3A_121 : i32 to vector<128x8192xi32>
    %le3A_123 = arith.cmpi sle, %add3A_86, %le3A_122 : vector<128x8192xi32>
    %convert_element_type3A_124 = arith.extui %le3A_123 : vector<128x8192xi1> to vector<128x8192xi32>
    %reduce_sum3A_125 = arith.constant dense<0> : vector<128xi32>
    %reduce_sum3A_126 = vector.multi_reduction <add>, %convert_element_type3A_124, %reduce_sum3A_125 [1] : vector<128x8192xi32> to vector<128xi32>
    %broadcast_in_dim3A_127 = vector.shape_cast %reduce_sum3A_126 : vector<128xi32> to vector<128x1xi32>
    %le3A_128 = arith.constant 6 : i32
    %le3A_129 = vector.broadcast %le3A_128 : i32 to vector<128x8192xi32>
    %le3A_130 = arith.cmpi sle, %add3A_86, %le3A_129 : vector<128x8192xi32>
    %convert_element_type3A_131 = arith.extui %le3A_130 : vector<128x8192xi1> to vector<128x8192xi32>
    %reduce_sum3A_132 = arith.constant dense<0> : vector<128xi32>
    %reduce_sum3A_133 = vector.multi_reduction <add>, %convert_element_type3A_131, %reduce_sum3A_132 [1] : vector<128x8192xi32> to vector<128xi32>
    %broadcast_in_dim3A_134 = vector.shape_cast %reduce_sum3A_133 : vector<128xi32> to vector<128x1xi32>
    %le3A_135 = arith.constant 7 : i32
    %le3A_136 = vector.broadcast %le3A_135 : i32 to vector<128x8192xi32>
    %le3A_137 = arith.cmpi sle, %add3A_86, %le3A_136 : vector<128x8192xi32>
    %convert_element_type3A_138 = arith.extui %le3A_137 : vector<128x8192xi1> to vector<128x8192xi32>
    %reduce_sum3A_139 = arith.constant dense<0> : vector<128xi32>
    %reduce_sum3A_140 = vector.multi_reduction <add>, %convert_element_type3A_138, %reduce_sum3A_139 [1] : vector<128x8192xi32> to vector<128xi32>
    %broadcast_in_dim3A_141 = vector.shape_cast %reduce_sum3A_140 : vector<128xi32> to vector<128x1xi32>
    %le3A_142 = arith.constant 8 : i32
    %le3A_143 = vector.broadcast %le3A_142 : i32 to vector<128x8192xi32>
    %le3A_144 = arith.cmpi sle, %add3A_86, %le3A_143 : vector<128x8192xi32>
    %convert_element_type3A_145 = arith.extui %le3A_144 : vector<128x8192xi1> to vector<128x8192xi32>
    %reduce_sum3A_146 = arith.constant dense<0> : vector<128xi32>
    %reduce_sum3A_147 = vector.multi_reduction <add>, %convert_element_type3A_145, %reduce_sum3A_146 [1] : vector<128x8192xi32> to vector<128xi32>
    %broadcast_in_dim3A_148 = vector.shape_cast %reduce_sum3A_147 : vector<128xi32> to vector<128x1xi32>
    %le3A_149 = arith.constant 9 : i32
    %le3A_150 = vector.broadcast %le3A_149 : i32 to vector<128x8192xi32>
    %le3A_151 = arith.cmpi sle, %add3A_86, %le3A_150 : vector<128x8192xi32>
    %convert_element_type3A_152 = arith.extui %le3A_151 : vector<128x8192xi1> to vector<128x8192xi32>
    %reduce_sum3A_153 = arith.constant dense<0> : vector<128xi32>
    %reduce_sum3A_154 = vector.multi_reduction <add>, %convert_element_type3A_152, %reduce_sum3A_153 [1] : vector<128x8192xi32> to vector<128xi32>
    %broadcast_in_dim3A_155 = vector.shape_cast %reduce_sum3A_154 : vector<128xi32> to vector<128x1xi32>
    %le3A_156 = arith.constant 10 : i32
    %le3A_157 = vector.broadcast %le3A_156 : i32 to vector<128x8192xi32>
    %le3A_158 = arith.cmpi sle, %add3A_86, %le3A_157 : vector<128x8192xi32>
    %convert_element_type3A_159 = arith.extui %le3A_158 : vector<128x8192xi1> to vector<128x8192xi32>
    %reduce_sum3A_160 = arith.constant dense<0> : vector<128xi32>
    %reduce_sum3A_161 = vector.multi_reduction <add>, %convert_element_type3A_159, %reduce_sum3A_160 [1] : vector<128x8192xi32> to vector<128xi32>
    %broadcast_in_dim3A_162 = vector.shape_cast %reduce_sum3A_161 : vector<128xi32> to vector<128x1xi32>
    %le3A_163 = arith.constant 11 : i32
    %le3A_164 = vector.broadcast %le3A_163 : i32 to vector<128x8192xi32>
    %le3A_165 = arith.cmpi sle, %add3A_86, %le3A_164 : vector<128x8192xi32>
    %convert_element_type3A_166 = arith.extui %le3A_165 : vector<128x8192xi1> to vector<128x8192xi32>
    %reduce_sum3A_167 = arith.constant dense<0> : vector<128xi32>
    %reduce_sum3A_168 = vector.multi_reduction <add>, %convert_element_type3A_166, %reduce_sum3A_167 [1] : vector<128x8192xi32> to vector<128xi32>
    %broadcast_in_dim3A_169 = vector.shape_cast %reduce_sum3A_168 : vector<128xi32> to vector<128x1xi32>
    %le3A_170 = arith.constant 12 : i32
    %le3A_171 = vector.broadcast %le3A_170 : i32 to vector<128x8192xi32>
    %le3A_172 = arith.cmpi sle, %add3A_86, %le3A_171 : vector<128x8192xi32>
    %convert_element_type3A_173 = arith.extui %le3A_172 : vector<128x8192xi1> to vector<128x8192xi32>
    %reduce_sum3A_174 = arith.constant dense<0> : vector<128xi32>
    %reduce_sum3A_175 = vector.multi_reduction <add>, %convert_element_type3A_173, %reduce_sum3A_174 [1] : vector<128x8192xi32> to vector<128xi32>
    %broadcast_in_dim3A_176 = vector.shape_cast %reduce_sum3A_175 : vector<128xi32> to vector<128x1xi32>
    %le3A_177 = arith.constant 13 : i32
    %le3A_178 = vector.broadcast %le3A_177 : i32 to vector<128x8192xi32>
    %le3A_179 = arith.cmpi sle, %add3A_86, %le3A_178 : vector<128x8192xi32>
    %convert_element_type3A_180 = arith.extui %le3A_179 : vector<128x8192xi1> to vector<128x8192xi32>
    %reduce_sum3A_181 = arith.constant dense<0> : vector<128xi32>
    %reduce_sum3A_182 = vector.multi_reduction <add>, %convert_element_type3A_180, %reduce_sum3A_181 [1] : vector<128x8192xi32> to vector<128xi32>
    %broadcast_in_dim3A_183 = vector.shape_cast %reduce_sum3A_182 : vector<128xi32> to vector<128x1xi32>
    %le3A_184 = arith.constant 14 : i32
    %le3A_185 = vector.broadcast %le3A_184 : i32 to vector<128x8192xi32>
    %le3A_186 = arith.cmpi sle, %add3A_86, %le3A_185 : vector<128x8192xi32>
    %convert_element_type3A_187 = arith.extui %le3A_186 : vector<128x8192xi1> to vector<128x8192xi32>
    %reduce_sum3A_188 = arith.constant dense<0> : vector<128xi32>
    %reduce_sum3A_189 = vector.multi_reduction <add>, %convert_element_type3A_187, %reduce_sum3A_188 [1] : vector<128x8192xi32> to vector<128xi32>
    %broadcast_in_dim3A_190 = vector.shape_cast %reduce_sum3A_189 : vector<128xi32> to vector<128x1xi32>
    %le3A_191 = arith.constant 15 : i32
    %le3A_192 = vector.broadcast %le3A_191 : i32 to vector<128x8192xi32>
    %le3A_193 = arith.cmpi sle, %add3A_86, %le3A_192 : vector<128x8192xi32>
    %convert_element_type3A_194 = arith.extui %le3A_193 : vector<128x8192xi1> to vector<128x8192xi32>
    %reduce_sum3A_195 = arith.constant dense<0> : vector<128xi32>
    %reduce_sum3A_196 = vector.multi_reduction <add>, %convert_element_type3A_194, %reduce_sum3A_195 [1] : vector<128x8192xi32> to vector<128xi32>
    %broadcast_in_dim3A_197 = vector.shape_cast %reduce_sum3A_196 : vector<128xi32> to vector<128x1xi32>
    %le3A_198 = arith.constant 16 : i32
    %le3A_199 = vector.broadcast %le3A_198 : i32 to vector<128x8192xi32>
    %le3A_200 = arith.cmpi sle, %add3A_86, %le3A_199 : vector<128x8192xi32>
    %convert_element_type3A_201 = arith.extui %le3A_200 : vector<128x8192xi1> to vector<128x8192xi32>
    %reduce_sum3A_202 = arith.constant dense<0> : vector<128xi32>
    %reduce_sum3A_203 = vector.multi_reduction <add>, %convert_element_type3A_201, %reduce_sum3A_202 [1] : vector<128x8192xi32> to vector<128xi32>
    %broadcast_in_dim3A_204 = vector.shape_cast %reduce_sum3A_203 : vector<128xi32> to vector<128x1xi32>
    %le3A_205 = arith.constant 17 : i32
    %le3A_206 = vector.broadcast %le3A_205 : i32 to vector<128x8192xi32>
    %le3A_207 = arith.cmpi sle, %add3A_86, %le3A_206 : vector<128x8192xi32>
    %convert_element_type3A_208 = arith.extui %le3A_207 : vector<128x8192xi1> to vector<128x8192xi32>
    %reduce_sum3A_209 = arith.constant dense<0> : vector<128xi32>
    %reduce_sum3A_210 = vector.multi_reduction <add>, %convert_element_type3A_208, %reduce_sum3A_209 [1] : vector<128x8192xi32> to vector<128xi32>
    %broadcast_in_dim3A_211 = vector.shape_cast %reduce_sum3A_210 : vector<128xi32> to vector<128x1xi32>
    %le3A_212 = arith.constant 18 : i32
    %le3A_213 = vector.broadcast %le3A_212 : i32 to vector<128x8192xi32>
    %le3A_214 = arith.cmpi sle, %add3A_86, %le3A_213 : vector<128x8192xi32>
    %convert_element_type3A_215 = arith.extui %le3A_214 : vector<128x8192xi1> to vector<128x8192xi32>
    %reduce_sum3A_216 = arith.constant dense<0> : vector<128xi32>
    %reduce_sum3A_217 = vector.multi_reduction <add>, %convert_element_type3A_215, %reduce_sum3A_216 [1] : vector<128x8192xi32> to vector<128xi32>
    %broadcast_in_dim3A_218 = vector.shape_cast %reduce_sum3A_217 : vector<128xi32> to vector<128x1xi32>
    %le3A_219 = arith.constant 19 : i32
    %le3A_220 = vector.broadcast %le3A_219 : i32 to vector<128x8192xi32>
    %le3A_221 = arith.cmpi sle, %add3A_86, %le3A_220 : vector<128x8192xi32>
    %convert_element_type3A_222 = arith.extui %le3A_221 : vector<128x8192xi1> to vector<128x8192xi32>
    %reduce_sum3A_223 = arith.constant dense<0> : vector<128xi32>
    %reduce_sum3A_224 = vector.multi_reduction <add>, %convert_element_type3A_222, %reduce_sum3A_223 [1] : vector<128x8192xi32> to vector<128xi32>
    %broadcast_in_dim3A_225 = vector.shape_cast %reduce_sum3A_224 : vector<128xi32> to vector<128x1xi32>
    %le3A_226 = arith.constant 20 : i32
    %le3A_227 = vector.broadcast %le3A_226 : i32 to vector<128x8192xi32>
    %le3A_228 = arith.cmpi sle, %add3A_86, %le3A_227 : vector<128x8192xi32>
    %convert_element_type3A_229 = arith.extui %le3A_228 : vector<128x8192xi1> to vector<128x8192xi32>
    %reduce_sum3A_230 = arith.constant dense<0> : vector<128xi32>
    %reduce_sum3A_231 = vector.multi_reduction <add>, %convert_element_type3A_229, %reduce_sum3A_230 [1] : vector<128x8192xi32> to vector<128xi32>
    %broadcast_in_dim3A_232 = vector.shape_cast %reduce_sum3A_231 : vector<128xi32> to vector<128x1xi32>
    %le3A_233 = arith.constant 21 : i32
    %le3A_234 = vector.broadcast %le3A_233 : i32 to vector<128x8192xi32>
    %le3A_235 = arith.cmpi sle, %add3A_86, %le3A_234 : vector<128x8192xi32>
    %convert_element_type3A_236 = arith.extui %le3A_235 : vector<128x8192xi1> to vector<128x8192xi32>
    %reduce_sum3A_237 = arith.constant dense<0> : vector<128xi32>
    %reduce_sum3A_238 = vector.multi_reduction <add>, %convert_element_type3A_236, %reduce_sum3A_237 [1] : vector<128x8192xi32> to vector<128xi32>
    %broadcast_in_dim3A_239 = vector.shape_cast %reduce_sum3A_238 : vector<128xi32> to vector<128x1xi32>
    %le3A_240 = arith.constant 22 : i32
    %le3A_241 = vector.broadcast %le3A_240 : i32 to vector<128x8192xi32>
    %le3A_242 = arith.cmpi sle, %add3A_86, %le3A_241 : vector<128x8192xi32>
    %convert_element_type3A_243 = arith.extui %le3A_242 : vector<128x8192xi1> to vector<128x8192xi32>
    %reduce_sum3A_244 = arith.constant dense<0> : vector<128xi32>
    %reduce_sum3A_245 = vector.multi_reduction <add>, %convert_element_type3A_243, %reduce_sum3A_244 [1] : vector<128x8192xi32> to vector<128xi32>
    %broadcast_in_dim3A_246 = vector.shape_cast %reduce_sum3A_245 : vector<128xi32> to vector<128x1xi32>
    %le3A_247 = arith.constant 23 : i32
    %le3A_248 = vector.broadcast %le3A_247 : i32 to vector<128x8192xi32>
    %le3A_249 = arith.cmpi sle, %add3A_86, %le3A_248 : vector<128x8192xi32>
    %convert_element_type3A_250 = arith.extui %le3A_249 : vector<128x8192xi1> to vector<128x8192xi32>
    %reduce_sum3A_251 = arith.constant dense<0> : vector<128xi32>
    %reduce_sum3A_252 = vector.multi_reduction <add>, %convert_element_type3A_250, %reduce_sum3A_251 [1] : vector<128x8192xi32> to vector<128xi32>
    %broadcast_in_dim3A_253 = vector.shape_cast %reduce_sum3A_252 : vector<128xi32> to vector<128x1xi32>
    %le3A_254 = arith.constant 24 : i32
    %le3A_255 = vector.broadcast %le3A_254 : i32 to vector<128x8192xi32>
    %le3A_256 = arith.cmpi sle, %add3A_86, %le3A_255 : vector<128x8192xi32>
    %convert_element_type3A_257 = arith.extui %le3A_256 : vector<128x8192xi1> to vector<128x8192xi32>
    %reduce_sum3A_258 = arith.constant dense<0> : vector<128xi32>
    %reduce_sum3A_259 = vector.multi_reduction <add>, %convert_element_type3A_257, %reduce_sum3A_258 [1] : vector<128x8192xi32> to vector<128xi32>
    %broadcast_in_dim3A_260 = vector.shape_cast %reduce_sum3A_259 : vector<128xi32> to vector<128x1xi32>
    %le3A_261 = arith.constant 25 : i32
    %le3A_262 = vector.broadcast %le3A_261 : i32 to vector<128x8192xi32>
    %le3A_263 = arith.cmpi sle, %add3A_86, %le3A_262 : vector<128x8192xi32>
    %convert_element_type3A_264 = arith.extui %le3A_263 : vector<128x8192xi1> to vector<128x8192xi32>
    %reduce_sum3A_265 = arith.constant dense<0> : vector<128xi32>
    %reduce_sum3A_266 = vector.multi_reduction <add>, %convert_element_type3A_264, %reduce_sum3A_265 [1] : vector<128x8192xi32> to vector<128xi32>
    %broadcast_in_dim3A_267 = vector.shape_cast %reduce_sum3A_266 : vector<128xi32> to vector<128x1xi32>
    %le3A_268 = arith.constant 26 : i32
    %le3A_269 = vector.broadcast %le3A_268 : i32 to vector<128x8192xi32>
    %le3A_270 = arith.cmpi sle, %add3A_86, %le3A_269 : vector<128x8192xi32>
    %convert_element_type3A_271 = arith.extui %le3A_270 : vector<128x8192xi1> to vector<128x8192xi32>
    %reduce_sum3A_272 = arith.constant dense<0> : vector<128xi32>
    %reduce_sum3A_273 = vector.multi_reduction <add>, %convert_element_type3A_271, %reduce_sum3A_272 [1] : vector<128x8192xi32> to vector<128xi32>
    %broadcast_in_dim3A_274 = vector.shape_cast %reduce_sum3A_273 : vector<128xi32> to vector<128x1xi32>
    %le3A_275 = arith.constant 27 : i32
    %le3A_276 = vector.broadcast %le3A_275 : i32 to vector<128x8192xi32>
    %le3A_277 = arith.cmpi sle, %add3A_86, %le3A_276 : vector<128x8192xi32>
    %convert_element_type3A_278 = arith.extui %le3A_277 : vector<128x8192xi1> to vector<128x8192xi32>
    %reduce_sum3A_279 = arith.constant dense<0> : vector<128xi32>
    %reduce_sum3A_280 = vector.multi_reduction <add>, %convert_element_type3A_278, %reduce_sum3A_279 [1] : vector<128x8192xi32> to vector<128xi32>
    %broadcast_in_dim3A_281 = vector.shape_cast %reduce_sum3A_280 : vector<128xi32> to vector<128x1xi32>
    %le3A_282 = arith.constant 28 : i32
    %le3A_283 = vector.broadcast %le3A_282 : i32 to vector<128x8192xi32>
    %le3A_284 = arith.cmpi sle, %add3A_86, %le3A_283 : vector<128x8192xi32>
    %convert_element_type3A_285 = arith.extui %le3A_284 : vector<128x8192xi1> to vector<128x8192xi32>
    %reduce_sum3A_286 = arith.constant dense<0> : vector<128xi32>
    %reduce_sum3A_287 = vector.multi_reduction <add>, %convert_element_type3A_285, %reduce_sum3A_286 [1] : vector<128x8192xi32> to vector<128xi32>
    %broadcast_in_dim3A_288 = vector.shape_cast %reduce_sum3A_287 : vector<128xi32> to vector<128x1xi32>
    %le3A_289 = arith.constant 29 : i32
    %le3A_290 = vector.broadcast %le3A_289 : i32 to vector<128x8192xi32>
    %le3A_291 = arith.cmpi sle, %add3A_86, %le3A_290 : vector<128x8192xi32>
    %convert_element_type3A_292 = arith.extui %le3A_291 : vector<128x8192xi1> to vector<128x8192xi32>
    %reduce_sum3A_293 = arith.constant dense<0> : vector<128xi32>
    %reduce_sum3A_294 = vector.multi_reduction <add>, %convert_element_type3A_292, %reduce_sum3A_293 [1] : vector<128x8192xi32> to vector<128xi32>
    %broadcast_in_dim3A_295 = vector.shape_cast %reduce_sum3A_294 : vector<128xi32> to vector<128x1xi32>
    %le3A_296 = arith.constant 30 : i32
    %le3A_297 = vector.broadcast %le3A_296 : i32 to vector<128x8192xi32>
    %le3A_298 = arith.cmpi sle, %add3A_86, %le3A_297 : vector<128x8192xi32>
    %convert_element_type3A_299 = arith.extui %le3A_298 : vector<128x8192xi1> to vector<128x8192xi32>
    %reduce_sum3A_300 = arith.constant dense<0> : vector<128xi32>
    %reduce_sum3A_301 = vector.multi_reduction <add>, %convert_element_type3A_299, %reduce_sum3A_300 [1] : vector<128x8192xi32> to vector<128xi32>
    %broadcast_in_dim3A_302 = vector.shape_cast %reduce_sum3A_301 : vector<128xi32> to vector<128x1xi32>
    %le3A_303 = arith.constant 31 : i32
    %le3A_304 = vector.broadcast %le3A_303 : i32 to vector<128x8192xi32>
    %le3A_305 = arith.cmpi sle, %add3A_86, %le3A_304 : vector<128x8192xi32>
    %convert_element_type3A_306 = arith.extui %le3A_305 : vector<128x8192xi1> to vector<128x8192xi32>
    %reduce_sum3A_307 = arith.constant dense<0> : vector<128xi32>
    %reduce_sum3A_308 = vector.multi_reduction <add>, %convert_element_type3A_306, %reduce_sum3A_307 [1] : vector<128x8192xi32> to vector<128xi32>
    %broadcast_in_dim3A_309 = vector.shape_cast %reduce_sum3A_308 : vector<128xi32> to vector<128x1xi32>
    %concatenate3A_310 = tpu.concatenate %broadcast_in_dim3A_92, %broadcast_in_dim3A_99, %broadcast_in_dim3A_106, %broadcast_in_dim3A_113, %broadcast_in_dim3A_120, %broadcast_in_dim3A_127, %broadcast_in_dim3A_134, %broadcast_in_dim3A_141, %broadcast_in_dim3A_148, %broadcast_in_dim3A_155, %broadcast_in_dim3A_162, %broadcast_in_dim3A_169, %broadcast_in_dim3A_176, %broadcast_in_dim3A_183, %broadcast_in_dim3A_190, %broadcast_in_dim3A_197, %broadcast_in_dim3A_204, %broadcast_in_dim3A_211, %broadcast_in_dim3A_218, %broadcast_in_dim3A_225, %broadcast_in_dim3A_232, %broadcast_in_dim3A_239, %broadcast_in_dim3A_246, %broadcast_in_dim3A_253, %broadcast_in_dim3A_260, %broadcast_in_dim3A_267, %broadcast_in_dim3A_274, %broadcast_in_dim3A_281, %broadcast_in_dim3A_288, %broadcast_in_dim3A_295, %broadcast_in_dim3A_302, %broadcast_in_dim3A_309 in 1 : vector<128x1xi32>, vector<128x1xi32>, vector<128x1xi32>, vector<128x1xi32>, vector<128x1xi32>, vector<128x1xi32>, vector<128x1xi32>, vector<128x1xi32>, vector<128x1xi32>, vector<128x1xi32>, vector<128x1xi32>, vector<128x1xi32>, vector<128x1xi32>, vector<128x1xi32>, vector<128x1xi32>, vector<128x1xi32>, vector<128x1xi32>, vector<128x1xi32>, vector<128x1xi32>, vector<128x1xi32>, vector<128x1xi32>, vector<128x1xi32>, vector<128x1xi32>, vector<128x1xi32>, vector<128x1xi32>, vector<128x1xi32>, vector<128x1xi32>, vector<128x1xi32>, vector<128x1xi32>, vector<128x1xi32>, vector<128x1xi32>, vector<128x1xi32> -> vector<128x32xi32>
    %eq3A = arith.constant 8192 : i32
    %eq3A_311 = vector.broadcast %eq3A : i32 to vector<128x32xi32>
    %eq3A_312 = arith.cmpi eq, %concatenate3A_310, %eq3A_311 : vector<128x32xi32>
    %slice3A_313 = vector.extract_strided_slice %concatenate3A_310 {offsets = [0, 0], sizes = [128, 1], strides = [1, 1]} : vector<128x32xi32> to vector<128x1xi32>
    %broadcast_in_dim3A_314 = vector.shape_cast %slice3A_313 : vector<128x1xi32> to vector<128x1xi32>
    %broadcast_in_dim3A_315 = vector.broadcast %broadcast_in_dim3A_314 : vector<128x1xi32> to vector<128x32xi32>
    %select_n3A = arith.select %eq3A_312, %broadcast_in_dim3A_315, %concatenate3A_310 : vector<128x32xi1>, vector<128x32xi32>
    %mul3A_316 = arith.constant 8192 : i32
    %mul3A_317 = arith.muli %arg0, %mul3A_316 : i32
    %add3A_318 = vector.broadcast %mul3A_317 : i32 to vector<128x32xi32>
    %add3A_319 = arith.addi %select_n3A, %add3A_318 : vector<128x32xi32>
    %swap3A = arith.constant 0 : index
    %swap3A_320 = arith.constant 0 : index
    %swap3A_321 = arith.constant 0 : index
    %swap3A_322 = arith.constant 0 : index
    %swap3A_323 = vector.load %arg4[%swap3A, %swap3A_320, %swap3A_321, %swap3A_322] : memref<1x1x128x32xi32, #tpu.memory_space<vmem>>, vector<1x1x128x32xi32>
    %swap3A_324 = vector.shape_cast %swap3A_323 : vector<1x1x128x32xi32> to vector<128x32xi32>
    %swap3A_325 = vector.shape_cast %add3A_319 : vector<128x32xi32> to vector<1x1x128x32xi32>
    tpu.vector_store %arg4[%swap3A, %swap3A_320, %swap3A_321, %swap3A_322], %swap3A_325 {strides = array<i32>} : memref<1x1x128x32xi32, #tpu.memory_space<vmem>>, vector<1x1x128x32xi32>,
    return
  }
  func.func @transform_0(%arg0: i32, %arg1: i32) -> (i32, i32, i32) {
    %c0_i32 = arith.constant 0 : i32
    %c0_i32_0 = arith.constant 0 : i32
    %c0_i32_1 = arith.constant 0 : i32
    return %arg0, %c0_i32, %c0_i32_0 : i32, i32, i32
  }
  func.func @transform_1(%arg0: i32, %arg1: i32) -> (i32, i32, i32, i32) {
    %c0_i32 = arith.constant 0 : i32
    %c0_i32_0 = arith.constant 0 : i32
    %c0_i32_1 = arith.constant 0 : i32
    return %arg0, %arg1, %c0_i32, %c0_i32_0 : i32, i32, i32, i32
  }
  func.func @transform_2(%arg0: i32, %arg1: i32) -> (i32, i32, i32, i32) {
    %c0_i32 = arith.constant 0 : i32
    %c0_i32_0 = arith.constant 0 : i32
    %c0_i32_1 = arith.constant 0 : i32
    return %arg0, %arg1, %c0_i32, %c0_i32_0 : i32, i32, i32, i32
  }
}

module attributes {stable_mosaic.version = 14 : i64} {
  func.func @_mlp0_body(%arg0: i32, %arg1: memref<2048x128xf32, #tpu.memory_space<vmem>>, %arg2: memref<2048x3xf32, #tpu.memory_space<vmem>>, %arg3: memref<128x32xf32, #tpu.memory_space<vmem>>, %arg4: memref<1x32xf32, #tpu.memory_space<vmem>>, %arg5: memref<2048x32xf32, #tpu.memory_space<vmem>>, %arg6: memref<2x32xf32, #tpu.memory_space<vmem>>, %arg7: memref<2x32xf32, #tpu.memory_space<vmem>>) attributes {dimension_semantics = [#tpu.dimension_semantics<arbitrary>], iteration_bounds = array<i64: 64>, scalar_prefetch = 0 : i64, scratch_operands = 1 : i64, tpu.core_type = #tpu.core_type<tc>, window_params = [{transform_indices = @transform_0, window_bounds = array<i64: 2048, 128>}, {transform_indices = @transform_1, window_bounds = array<i64: 2048, 3>}, {pipeline_mode = #tpu.pipeline_mode<synchronous>, transform_indices = @transform_2, window_bounds = array<i64: 128, 32>}, {pipeline_mode = #tpu.pipeline_mode<synchronous>, transform_indices = @transform_3, window_bounds = array<i64: 1, 32>}, {transform_indices = @transform_4, window_bounds = array<i64: 2048, 32>}, {pipeline_mode = #tpu.pipeline_mode<synchronous>, transform_indices = @transform_5, window_bounds = array<i64: 2, 32>}]} {
    %get3A = arith.constant 0 : index
    %get3A_0 = arith.constant 0 : index
    %get3A_1 = vector.load %arg1[%get3A, %get3A_0] : memref<2048x128xf32, #tpu.memory_space<vmem>>, vector<2048x128xf32>
    %get3A_2 = arith.constant 0 : index
    %get3A_3 = arith.constant 0 : index
    %get3A_4 = vector.load %arg2[%get3A_2, %get3A_3] : memref<2048x3xf32, #tpu.memory_space<vmem>>, vector<2048x3xf32>
    %slice3A = vector.extract_strided_slice %get3A_1 {offsets = [0, 0], sizes = [2048, 3], strides = [1, 1]} : vector<2048x128xf32> to vector<2048x3xf32>
    %sub3A = arith.subf %slice3A, %get3A_4 : vector<2048x3xf32>
    %div3A = arith.constant 2.000000e-01 : f32
    %div3A_5 = vector.broadcast %div3A : f32 to vector<2048x3xf32>
    %div3A_6 = arith.divf %sub3A, %div3A_5 : vector<2048x3xf32>
    %slice3A_7 = vector.extract_strided_slice %get3A_1 {offsets = [0, 3], sizes = [2048, 125], strides = [1, 1]} : vector<2048x128xf32> to vector<2048x125xf32>
    %concatenate3A = tpu.concatenate %div3A_6, %slice3A_7 in 1 : vector<2048x3xf32>, vector<2048x125xf32> -> vector<2048x128xf32>
    %get3A_8 = arith.constant 0 : index
    %get3A_9 = arith.constant 0 : index
    %get3A_10 = vector.load %arg3[%get3A_8, %get3A_9] : memref<128x32xf32, #tpu.memory_space<vmem>>, vector<128x32xf32>
    %dot_general3A = arith.constant dense<0.000000e+00> : vector<2048x32xf32>
    %dot_general3A_11 = tpu.matmul %concatenate3A, %get3A_10, %dot_general3A {dimension_numbers = #tpu.dot_dimension_numbers<[1], [0], [0], [1], [0, 0, 1, 1], [], []>, transpose_lhs_hint = false} : vector<2048x128xf32>, vector<128x32xf32>, vector<2048x32xf32> -> vector<2048x32xf32>
    %get3A_12 = arith.constant 0 : index
    %get3A_13 = arith.constant 0 : index
    %get3A_14 = vector.load %arg4[%get3A_12, %get3A_13] : memref<1x32xf32, #tpu.memory_space<vmem>>, vector<1x32xf32>
    %add3A = vector.broadcast %get3A_14 : vector<1x32xf32> to vector<2048x32xf32>
    %add3A_15 = arith.addf %dot_general3A_11, %add3A : vector<2048x32xf32>
    %reduce_sum3A = arith.constant dense<0.000000e+00> : vector<32xf32>
    %reduce_sum3A_16 = vector.multi_reduction <add>, %add3A_15, %reduce_sum3A [0] : vector<2048x32xf32> to vector<32xf32>
    %broadcast_in_dim3A = vector.shape_cast %reduce_sum3A_16 : vector<32xf32> to vector<1x32xf32>
    %mul3A = arith.mulf %add3A_15, %add3A_15 : vector<2048x32xf32>
    %reduce_sum3A_17 = arith.constant dense<0.000000e+00> : vector<32xf32>
    %reduce_sum3A_18 = vector.multi_reduction <add>, %mul3A, %reduce_sum3A_17 [0] : vector<2048x32xf32> to vector<32xf32>
    %broadcast_in_dim3A_19 = vector.shape_cast %reduce_sum3A_18 : vector<32xf32> to vector<1x32xf32>
    %eq3A = arith.constant 0 : i32
    %eq3A_20 = arith.cmpi eq, %arg0, %eq3A : i32
    %convert_element_type3A = arith.extui %eq3A_20 : i1 to i32
    %cond3A = arith.constant 0 : i32
    %cond3A_21 = arith.cmpi ne, %convert_element_type3A, %cond3A : i32
    scf.if %cond3A_21 {
      %swap3A_33 = arith.constant 0 : index
      %swap3A_34 = arith.constant 0 : index
      %swap3A_35 = vector.load %arg7[%swap3A_33, %swap3A_34] : memref<2x32xf32, #tpu.memory_space<vmem>>, vector<1x32xf32>
      tpu.vector_store %arg7[%swap3A_33, %swap3A_34], %broadcast_in_dim3A {strides = array<i32>} : memref<2x32xf32, #tpu.memory_space<vmem>>, vector<1x32xf32>,
      %swap3A_36 = arith.constant 1 : index
      %swap3A_37 = arith.constant 0 : index
      %swap3A_38 = vector.load %arg7[%swap3A_36, %swap3A_37] : memref<2x32xf32, #tpu.memory_space<vmem>>, vector<1x32xf32>
      tpu.vector_store %arg7[%swap3A_36, %swap3A_37], %broadcast_in_dim3A_19 {strides = array<i32>} : memref<2x32xf32, #tpu.memory_space<vmem>>, vector<1x32xf32>,
    } else {
    }
    %gt3A = arith.constant 0 : i32
    %gt3A_22 = arith.cmpi sgt, %arg0, %gt3A : i32
    %convert_element_type3A_23 = arith.extui %gt3A_22 : i1 to i32
    %cond3A_24 = arith.constant 0 : i32
    %cond3A_25 = arith.cmpi ne, %convert_element_type3A_23, %cond3A_24 : i32
    scf.if %cond3A_25 {
      %get3A_33 = arith.constant 0 : index
      %get3A_34 = arith.constant 0 : index
      %get3A_35 = vector.load %arg7[%get3A_33, %get3A_34] : memref<2x32xf32, #tpu.memory_space<vmem>>, vector<1x32xf32>
      %add3A_36 = arith.addf %get3A_35, %broadcast_in_dim3A : vector<1x32xf32>
      %swap3A_37 = arith.constant 0 : index
      %swap3A_38 = arith.constant 0 : index
      %swap3A_39 = vector.load %arg7[%swap3A_37, %swap3A_38] : memref<2x32xf32, #tpu.memory_space<vmem>>, vector<1x32xf32>
      tpu.vector_store %arg7[%swap3A_37, %swap3A_38], %add3A_36 {strides = array<i32>} : memref<2x32xf32, #tpu.memory_space<vmem>>, vector<1x32xf32>,
      %get3A_40 = arith.constant 1 : index
      %get3A_41 = arith.constant 0 : index
      %get3A_42 = vector.load %arg7[%get3A_40, %get3A_41] : memref<2x32xf32, #tpu.memory_space<vmem>>, vector<1x32xf32>
      %add3A_43 = arith.addf %get3A_42, %broadcast_in_dim3A_19 : vector<1x32xf32>
      %swap3A_44 = arith.constant 1 : index
      %swap3A_45 = arith.constant 0 : index
      %swap3A_46 = vector.load %arg7[%swap3A_44, %swap3A_45] : memref<2x32xf32, #tpu.memory_space<vmem>>, vector<1x32xf32>
      tpu.vector_store %arg7[%swap3A_44, %swap3A_45], %add3A_43 {strides = array<i32>} : memref<2x32xf32, #tpu.memory_space<vmem>>, vector<1x32xf32>,
    } else {
    }
    %swap3A = arith.constant 0 : index
    %swap3A_26 = arith.constant 0 : index
    %swap3A_27 = vector.load %arg5[%swap3A, %swap3A_26] : memref<2048x32xf32, #tpu.memory_space<vmem>>, vector<2048x32xf32>
    tpu.vector_store %arg5[%swap3A, %swap3A_26], %add3A_15 {strides = array<i32>} : memref<2048x32xf32, #tpu.memory_space<vmem>>, vector<2048x32xf32>,
    %eq3A_28 = arith.constant 63 : i32
    %eq3A_29 = arith.cmpi eq, %arg0, %eq3A_28 : i32
    %convert_element_type3A_30 = arith.extui %eq3A_29 : i1 to i32
    %cond3A_31 = arith.constant 0 : i32
    %cond3A_32 = arith.cmpi ne, %convert_element_type3A_30, %cond3A_31 : i32
    scf.if %cond3A_32 {
      %get3A_33 = arith.constant 0 : index
      %get3A_34 = arith.constant 0 : index
      %get3A_35 = vector.load %arg7[%get3A_33, %get3A_34] : memref<2x32xf32, #tpu.memory_space<vmem>>, vector<2x32xf32>
      %swap3A_36 = arith.constant 0 : index
      %swap3A_37 = arith.constant 0 : index
      %swap3A_38 = vector.load %arg6[%swap3A_36, %swap3A_37] : memref<2x32xf32, #tpu.memory_space<vmem>>, vector<2x32xf32>
      tpu.vector_store %arg6[%swap3A_36, %swap3A_37], %get3A_35 {strides = array<i32>} : memref<2x32xf32, #tpu.memory_space<vmem>>, vector<2x32xf32>,
    } else {
    }
    return
  }
  func.func @transform_0(%arg0: i32) -> (i32, i32) {
    %c0_i32 = arith.constant 0 : i32
    %c0_i32_0 = arith.constant 0 : i32
    return %arg0, %c0_i32 : i32, i32
  }
  func.func @transform_1(%arg0: i32) -> (i32, i32) {
    %c0_i32 = arith.constant 0 : i32
    %c0_i32_0 = arith.constant 0 : i32
    return %arg0, %c0_i32 : i32, i32
  }
  func.func @transform_2(%arg0: i32) -> (i32, i32) {
    %c0_i32 = arith.constant 0 : i32
    %c0_i32_0 = arith.constant 0 : i32
    %c0_i32_1 = arith.constant 0 : i32
    return %c0_i32, %c0_i32_0 : i32, i32
  }
  func.func @transform_3(%arg0: i32) -> (i32, i32) {
    %c0_i32 = arith.constant 0 : i32
    %c0_i32_0 = arith.constant 0 : i32
    %c0_i32_1 = arith.constant 0 : i32
    return %c0_i32, %c0_i32_0 : i32, i32
  }
  func.func @transform_4(%arg0: i32) -> (i32, i32) {
    %c0_i32 = arith.constant 0 : i32
    %c0_i32_0 = arith.constant 0 : i32
    return %arg0, %c0_i32 : i32, i32
  }
  func.func @transform_5(%arg0: i32) -> (i32, i32) {
    %c0_i32 = arith.constant 0 : i32
    %c0_i32_0 = arith.constant 0 : i32
    %c0_i32_1 = arith.constant 0 : i32
    return %c0_i32, %c0_i32_0 : i32, i32
  }
}

module attributes {stable_mosaic.version = 14 : i64} {
  func.func @_mlp_mid_body(%arg0: i32, %arg1: memref<2048x32xf32, #tpu.memory_space<vmem>>, %arg2: memref<2x32xf32, #tpu.memory_space<vmem>>, %arg3: memref<1x32xf32, #tpu.memory_space<vmem>>, %arg4: memref<1x32xf32, #tpu.memory_space<vmem>>, %arg5: memref<32x32xf32, #tpu.memory_space<vmem>>, %arg6: memref<1x32xf32, #tpu.memory_space<vmem>>, %arg7: memref<2048x32xf32, #tpu.memory_space<vmem>>, %arg8: memref<2x32xf32, #tpu.memory_space<vmem>>, %arg9: memref<2x32xf32, #tpu.memory_space<vmem>>) attributes {dimension_semantics = [#tpu.dimension_semantics<arbitrary>], iteration_bounds = array<i64: 64>, scalar_prefetch = 0 : i64, scratch_operands = 1 : i64, tpu.core_type = #tpu.core_type<tc>, window_params = [{transform_indices = @transform_0, window_bounds = array<i64: 2048, 32>}, {pipeline_mode = #tpu.pipeline_mode<synchronous>, transform_indices = @transform_1, window_bounds = array<i64: 2, 32>}, {pipeline_mode = #tpu.pipeline_mode<synchronous>, transform_indices = @transform_2, window_bounds = array<i64: 1, 32>}, {pipeline_mode = #tpu.pipeline_mode<synchronous>, transform_indices = @transform_3, window_bounds = array<i64: 1, 32>}, {pipeline_mode = #tpu.pipeline_mode<synchronous>, transform_indices = @transform_4, window_bounds = array<i64: 32, 32>}, {pipeline_mode = #tpu.pipeline_mode<synchronous>, transform_indices = @transform_5, window_bounds = array<i64: 1, 32>}, {transform_indices = @transform_6, window_bounds = array<i64: 2048, 32>}, {pipeline_mode = #tpu.pipeline_mode<synchronous>, transform_indices = @transform_7, window_bounds = array<i64: 2, 32>}]} {
    %get3A = arith.constant 0 : index
    %get3A_0 = arith.constant 0 : index
    %get3A_1 = vector.load %arg2[%get3A, %get3A_0] : memref<2x32xf32, #tpu.memory_space<vmem>>, vector<1x32xf32>
    %div3A = arith.constant 1.310720e+05 : f32
    %div3A_2 = vector.broadcast %div3A : f32 to vector<1x32xf32>
    %div3A_3 = arith.divf %get3A_1, %div3A_2 : vector<1x32xf32>
    %get3A_4 = arith.constant 1 : index
    %get3A_5 = arith.constant 0 : index
    %get3A_6 = vector.load %arg2[%get3A_4, %get3A_5] : memref<2x32xf32, #tpu.memory_space<vmem>>, vector<1x32xf32>
    %div3A_7 = arith.constant 1.310720e+05 : f32
    %div3A_8 = vector.broadcast %div3A_7 : f32 to vector<1x32xf32>
    %div3A_9 = arith.divf %get3A_6, %div3A_8 : vector<1x32xf32>
    %mul3A = arith.mulf %div3A_3, %div3A_3 : vector<1x32xf32>
    %sub3A = arith.subf %div3A_9, %mul3A : vector<1x32xf32>
    %get3A_10 = arith.constant 0 : index
    %get3A_11 = arith.constant 0 : index
    %get3A_12 = vector.load %arg3[%get3A_10, %get3A_11] : memref<1x32xf32, #tpu.memory_space<vmem>>, vector<1x32xf32>
    %add3A = arith.constant 9.99999974E-6 : f32
    %add3A_13 = vector.broadcast %add3A : f32 to vector<1x32xf32>
    %add3A_14 = arith.addf %sub3A, %add3A_13 : vector<1x32xf32>
    %sqrt3A = math.sqrt %add3A_14 : vector<1x32xf32>
    %div3A_15 = arith.divf %get3A_12, %sqrt3A : vector<1x32xf32>
    %get3A_16 = arith.constant 0 : index
    %get3A_17 = arith.constant 0 : index
    %get3A_18 = vector.load %arg4[%get3A_16, %get3A_17] : memref<1x32xf32, #tpu.memory_space<vmem>>, vector<1x32xf32>
    %mul3A_19 = arith.mulf %div3A_3, %div3A_15 : vector<1x32xf32>
    %sub3A_20 = arith.subf %get3A_18, %mul3A_19 : vector<1x32xf32>
    %get3A_21 = arith.constant 0 : index
    %get3A_22 = arith.constant 0 : index
    %get3A_23 = vector.load %arg1[%get3A_21, %get3A_22] : memref<2048x32xf32, #tpu.memory_space<vmem>>, vector<2048x32xf32>
    %mul3A_24 = vector.broadcast %div3A_15 : vector<1x32xf32> to vector<2048x32xf32>
    %mul3A_25 = arith.mulf %get3A_23, %mul3A_24 : vector<2048x32xf32>
    %add3A_26 = vector.broadcast %sub3A_20 : vector<1x32xf32> to vector<2048x32xf32>
    %add3A_27 = arith.addf %mul3A_25, %add3A_26 : vector<2048x32xf32>
    %max3A = arith.constant 0.000000e+00 : f32
    %max3A_28 = vector.broadcast %max3A : f32 to vector<2048x32xf32>
    %max3A_29 = arith.maximumf %add3A_27, %max3A_28 : vector<2048x32xf32>
    %get3A_30 = arith.constant 0 : index
    %get3A_31 = arith.constant 0 : index
    %get3A_32 = vector.load %arg5[%get3A_30, %get3A_31] : memref<32x32xf32, #tpu.memory_space<vmem>>, vector<32x32xf32>
    %dot_general3A = arith.constant dense<0.000000e+00> : vector<2048x32xf32>
    %dot_general3A_33 = tpu.matmul %max3A_29, %get3A_32, %dot_general3A {dimension_numbers = #tpu.dot_dimension_numbers<[1], [0], [0], [1], [0, 0, 1, 1], [], []>, transpose_lhs_hint = false} : vector<2048x32xf32>, vector<32x32xf32>, vector<2048x32xf32> -> vector<2048x32xf32>
    %get3A_34 = arith.constant 0 : index
    %get3A_35 = arith.constant 0 : index
    %get3A_36 = vector.load %arg6[%get3A_34, %get3A_35] : memref<1x32xf32, #tpu.memory_space<vmem>>, vector<1x32xf32>
    %add3A_37 = vector.broadcast %get3A_36 : vector<1x32xf32> to vector<2048x32xf32>
    %add3A_38 = arith.addf %dot_general3A_33, %add3A_37 : vector<2048x32xf32>
    %reduce_sum3A = arith.constant dense<0.000000e+00> : vector<32xf32>
    %reduce_sum3A_39 = vector.multi_reduction <add>, %add3A_38, %reduce_sum3A [0] : vector<2048x32xf32> to vector<32xf32>
    %broadcast_in_dim3A = vector.shape_cast %reduce_sum3A_39 : vector<32xf32> to vector<1x32xf32>
    %mul3A_40 = arith.mulf %add3A_38, %add3A_38 : vector<2048x32xf32>
    %reduce_sum3A_41 = arith.constant dense<0.000000e+00> : vector<32xf32>
    %reduce_sum3A_42 = vector.multi_reduction <add>, %mul3A_40, %reduce_sum3A_41 [0] : vector<2048x32xf32> to vector<32xf32>
    %broadcast_in_dim3A_43 = vector.shape_cast %reduce_sum3A_42 : vector<32xf32> to vector<1x32xf32>
    %eq3A = arith.constant 0 : i32
    %eq3A_44 = arith.cmpi eq, %arg0, %eq3A : i32
    %convert_element_type3A = arith.extui %eq3A_44 : i1 to i32
    %cond3A = arith.constant 0 : i32
    %cond3A_45 = arith.cmpi ne, %convert_element_type3A, %cond3A : i32
    scf.if %cond3A_45 {
      %swap3A_57 = arith.constant 0 : index
      %swap3A_58 = arith.constant 0 : index
      %swap3A_59 = vector.load %arg9[%swap3A_57, %swap3A_58] : memref<2x32xf32, #tpu.memory_space<vmem>>, vector<1x32xf32>
      tpu.vector_store %arg9[%swap3A_57, %swap3A_58], %broadcast_in_dim3A {strides = array<i32>} : memref<2x32xf32, #tpu.memory_space<vmem>>, vector<1x32xf32>,
      %swap3A_60 = arith.constant 1 : index
      %swap3A_61 = arith.constant 0 : index
      %swap3A_62 = vector.load %arg9[%swap3A_60, %swap3A_61] : memref<2x32xf32, #tpu.memory_space<vmem>>, vector<1x32xf32>
      tpu.vector_store %arg9[%swap3A_60, %swap3A_61], %broadcast_in_dim3A_43 {strides = array<i32>} : memref<2x32xf32, #tpu.memory_space<vmem>>, vector<1x32xf32>,
    } else {
    }
    %gt3A = arith.constant 0 : i32
    %gt3A_46 = arith.cmpi sgt, %arg0, %gt3A : i32
    %convert_element_type3A_47 = arith.extui %gt3A_46 : i1 to i32
    %cond3A_48 = arith.constant 0 : i32
    %cond3A_49 = arith.cmpi ne, %convert_element_type3A_47, %cond3A_48 : i32
    scf.if %cond3A_49 {
      %get3A_57 = arith.constant 0 : index
      %get3A_58 = arith.constant 0 : index
      %get3A_59 = vector.load %arg9[%get3A_57, %get3A_58] : memref<2x32xf32, #tpu.memory_space<vmem>>, vector<1x32xf32>
      %add3A_60 = arith.addf %get3A_59, %broadcast_in_dim3A : vector<1x32xf32>
      %swap3A_61 = arith.constant 0 : index
      %swap3A_62 = arith.constant 0 : index
      %swap3A_63 = vector.load %arg9[%swap3A_61, %swap3A_62] : memref<2x32xf32, #tpu.memory_space<vmem>>, vector<1x32xf32>
      tpu.vector_store %arg9[%swap3A_61, %swap3A_62], %add3A_60 {strides = array<i32>} : memref<2x32xf32, #tpu.memory_space<vmem>>, vector<1x32xf32>,
      %get3A_64 = arith.constant 1 : index
      %get3A_65 = arith.constant 0 : index
      %get3A_66 = vector.load %arg9[%get3A_64, %get3A_65] : memref<2x32xf32, #tpu.memory_space<vmem>>, vector<1x32xf32>
      %add3A_67 = arith.addf %get3A_66, %broadcast_in_dim3A_43 : vector<1x32xf32>
      %swap3A_68 = arith.constant 1 : index
      %swap3A_69 = arith.constant 0 : index
      %swap3A_70 = vector.load %arg9[%swap3A_68, %swap3A_69] : memref<2x32xf32, #tpu.memory_space<vmem>>, vector<1x32xf32>
      tpu.vector_store %arg9[%swap3A_68, %swap3A_69], %add3A_67 {strides = array<i32>} : memref<2x32xf32, #tpu.memory_space<vmem>>, vector<1x32xf32>,
    } else {
    }
    %swap3A = arith.constant 0 : index
    %swap3A_50 = arith.constant 0 : index
    %swap3A_51 = vector.load %arg7[%swap3A, %swap3A_50] : memref<2048x32xf32, #tpu.memory_space<vmem>>, vector<2048x32xf32>
    tpu.vector_store %arg7[%swap3A, %swap3A_50], %add3A_38 {strides = array<i32>} : memref<2048x32xf32, #tpu.memory_space<vmem>>, vector<2048x32xf32>,
    %eq3A_52 = arith.constant 63 : i32
    %eq3A_53 = arith.cmpi eq, %arg0, %eq3A_52 : i32
    %convert_element_type3A_54 = arith.extui %eq3A_53 : i1 to i32
    %cond3A_55 = arith.constant 0 : i32
    %cond3A_56 = arith.cmpi ne, %convert_element_type3A_54, %cond3A_55 : i32
    scf.if %cond3A_56 {
      %get3A_57 = arith.constant 0 : index
      %get3A_58 = arith.constant 0 : index
      %get3A_59 = vector.load %arg9[%get3A_57, %get3A_58] : memref<2x32xf32, #tpu.memory_space<vmem>>, vector<2x32xf32>
      %swap3A_60 = arith.constant 0 : index
      %swap3A_61 = arith.constant 0 : index
      %swap3A_62 = vector.load %arg8[%swap3A_60, %swap3A_61] : memref<2x32xf32, #tpu.memory_space<vmem>>, vector<2x32xf32>
      tpu.vector_store %arg8[%swap3A_60, %swap3A_61], %get3A_59 {strides = array<i32>} : memref<2x32xf32, #tpu.memory_space<vmem>>, vector<2x32xf32>,
    } else {
    }
    return
  }
  func.func @transform_0(%arg0: i32) -> (i32, i32) {
    %c0_i32 = arith.constant 0 : i32
    %c0_i32_0 = arith.constant 0 : i32
    return %arg0, %c0_i32 : i32, i32
  }
  func.func @transform_1(%arg0: i32) -> (i32, i32) {
    %c0_i32 = arith.constant 0 : i32
    %c0_i32_0 = arith.constant 0 : i32
    %c0_i32_1 = arith.constant 0 : i32
    return %c0_i32, %c0_i32_0 : i32, i32
  }
  func.func @transform_2(%arg0: i32) -> (i32, i32) {
    %c0_i32 = arith.constant 0 : i32
    %c0_i32_0 = arith.constant 0 : i32
    %c0_i32_1 = arith.constant 0 : i32
    return %c0_i32, %c0_i32_0 : i32, i32
  }
  func.func @transform_3(%arg0: i32) -> (i32, i32) {
    %c0_i32 = arith.constant 0 : i32
    %c0_i32_0 = arith.constant 0 : i32
    %c0_i32_1 = arith.constant 0 : i32
    return %c0_i32, %c0_i32_0 : i32, i32
  }
  func.func @transform_4(%arg0: i32) -> (i32, i32) {
    %c0_i32 = arith.constant 0 : i32
    %c0_i32_0 = arith.constant 0 : i32
    %c0_i32_1 = arith.constant 0 : i32
    return %c0_i32, %c0_i32_0 : i32, i32
  }
  func.func @transform_5(%arg0: i32) -> (i32, i32) {
    %c0_i32 = arith.constant 0 : i32
    %c0_i32_0 = arith.constant 0 : i32
    %c0_i32_1 = arith.constant 0 : i32
    return %c0_i32, %c0_i32_0 : i32, i32
  }
  func.func @transform_6(%arg0: i32) -> (i32, i32) {
    %c0_i32 = arith.constant 0 : i32
    %c0_i32_0 = arith.constant 0 : i32
    return %arg0, %c0_i32 : i32, i32
  }
  func.func @transform_7(%arg0: i32) -> (i32, i32) {
    %c0_i32 = arith.constant 0 : i32
    %c0_i32_0 = arith.constant 0 : i32
    %c0_i32_1 = arith.constant 0 : i32
    return %c0_i32, %c0_i32_0 : i32, i32
  }
}

module attributes {stable_mosaic.version = 14 : i64} {
  func.func @_mlp_mid_body(%arg0: i32, %arg1: memref<2048x32xf32, #tpu.memory_space<vmem>>, %arg2: memref<2x32xf32, #tpu.memory_space<vmem>>, %arg3: memref<1x32xf32, #tpu.memory_space<vmem>>, %arg4: memref<1x32xf32, #tpu.memory_space<vmem>>, %arg5: memref<32x64xf32, #tpu.memory_space<vmem>>, %arg6: memref<1x64xf32, #tpu.memory_space<vmem>>, %arg7: memref<2048x64xf32, #tpu.memory_space<vmem>>, %arg8: memref<2x64xf32, #tpu.memory_space<vmem>>, %arg9: memref<2x64xf32, #tpu.memory_space<vmem>>) attributes {dimension_semantics = [#tpu.dimension_semantics<arbitrary>], iteration_bounds = array<i64: 64>, scalar_prefetch = 0 : i64, scratch_operands = 1 : i64, tpu.core_type = #tpu.core_type<tc>, window_params = [{transform_indices = @transform_0, window_bounds = array<i64: 2048, 32>}, {pipeline_mode = #tpu.pipeline_mode<synchronous>, transform_indices = @transform_1, window_bounds = array<i64: 2, 32>}, {pipeline_mode = #tpu.pipeline_mode<synchronous>, transform_indices = @transform_2, window_bounds = array<i64: 1, 32>}, {pipeline_mode = #tpu.pipeline_mode<synchronous>, transform_indices = @transform_3, window_bounds = array<i64: 1, 32>}, {pipeline_mode = #tpu.pipeline_mode<synchronous>, transform_indices = @transform_4, window_bounds = array<i64: 32, 64>}, {pipeline_mode = #tpu.pipeline_mode<synchronous>, transform_indices = @transform_5, window_bounds = array<i64: 1, 64>}, {transform_indices = @transform_6, window_bounds = array<i64: 2048, 64>}, {pipeline_mode = #tpu.pipeline_mode<synchronous>, transform_indices = @transform_7, window_bounds = array<i64: 2, 64>}]} {
    %get3A = arith.constant 0 : index
    %get3A_0 = arith.constant 0 : index
    %get3A_1 = vector.load %arg2[%get3A, %get3A_0] : memref<2x32xf32, #tpu.memory_space<vmem>>, vector<1x32xf32>
    %div3A = arith.constant 1.310720e+05 : f32
    %div3A_2 = vector.broadcast %div3A : f32 to vector<1x32xf32>
    %div3A_3 = arith.divf %get3A_1, %div3A_2 : vector<1x32xf32>
    %get3A_4 = arith.constant 1 : index
    %get3A_5 = arith.constant 0 : index
    %get3A_6 = vector.load %arg2[%get3A_4, %get3A_5] : memref<2x32xf32, #tpu.memory_space<vmem>>, vector<1x32xf32>
    %div3A_7 = arith.constant 1.310720e+05 : f32
    %div3A_8 = vector.broadcast %div3A_7 : f32 to vector<1x32xf32>
    %div3A_9 = arith.divf %get3A_6, %div3A_8 : vector<1x32xf32>
    %mul3A = arith.mulf %div3A_3, %div3A_3 : vector<1x32xf32>
    %sub3A = arith.subf %div3A_9, %mul3A : vector<1x32xf32>
    %get3A_10 = arith.constant 0 : index
    %get3A_11 = arith.constant 0 : index
    %get3A_12 = vector.load %arg3[%get3A_10, %get3A_11] : memref<1x32xf32, #tpu.memory_space<vmem>>, vector<1x32xf32>
    %add3A = arith.constant 9.99999974E-6 : f32
    %add3A_13 = vector.broadcast %add3A : f32 to vector<1x32xf32>
    %add3A_14 = arith.addf %sub3A, %add3A_13 : vector<1x32xf32>
    %sqrt3A = math.sqrt %add3A_14 : vector<1x32xf32>
    %div3A_15 = arith.divf %get3A_12, %sqrt3A : vector<1x32xf32>
    %get3A_16 = arith.constant 0 : index
    %get3A_17 = arith.constant 0 : index
    %get3A_18 = vector.load %arg4[%get3A_16, %get3A_17] : memref<1x32xf32, #tpu.memory_space<vmem>>, vector<1x32xf32>
    %mul3A_19 = arith.mulf %div3A_3, %div3A_15 : vector<1x32xf32>
    %sub3A_20 = arith.subf %get3A_18, %mul3A_19 : vector<1x32xf32>
    %get3A_21 = arith.constant 0 : index
    %get3A_22 = arith.constant 0 : index
    %get3A_23 = vector.load %arg1[%get3A_21, %get3A_22] : memref<2048x32xf32, #tpu.memory_space<vmem>>, vector<2048x32xf32>
    %mul3A_24 = vector.broadcast %div3A_15 : vector<1x32xf32> to vector<2048x32xf32>
    %mul3A_25 = arith.mulf %get3A_23, %mul3A_24 : vector<2048x32xf32>
    %add3A_26 = vector.broadcast %sub3A_20 : vector<1x32xf32> to vector<2048x32xf32>
    %add3A_27 = arith.addf %mul3A_25, %add3A_26 : vector<2048x32xf32>
    %max3A = arith.constant 0.000000e+00 : f32
    %max3A_28 = vector.broadcast %max3A : f32 to vector<2048x32xf32>
    %max3A_29 = arith.maximumf %add3A_27, %max3A_28 : vector<2048x32xf32>
    %get3A_30 = arith.constant 0 : index
    %get3A_31 = arith.constant 0 : index
    %get3A_32 = vector.load %arg5[%get3A_30, %get3A_31] : memref<32x64xf32, #tpu.memory_space<vmem>>, vector<32x64xf32>
    %dot_general3A = arith.constant dense<0.000000e+00> : vector<2048x64xf32>
    %dot_general3A_33 = tpu.matmul %max3A_29, %get3A_32, %dot_general3A {dimension_numbers = #tpu.dot_dimension_numbers<[1], [0], [0], [1], [0, 0, 1, 1], [], []>, transpose_lhs_hint = false} : vector<2048x32xf32>, vector<32x64xf32>, vector<2048x64xf32> -> vector<2048x64xf32>
    %get3A_34 = arith.constant 0 : index
    %get3A_35 = arith.constant 0 : index
    %get3A_36 = vector.load %arg6[%get3A_34, %get3A_35] : memref<1x64xf32, #tpu.memory_space<vmem>>, vector<1x64xf32>
    %add3A_37 = vector.broadcast %get3A_36 : vector<1x64xf32> to vector<2048x64xf32>
    %add3A_38 = arith.addf %dot_general3A_33, %add3A_37 : vector<2048x64xf32>
    %reduce_sum3A = arith.constant dense<0.000000e+00> : vector<64xf32>
    %reduce_sum3A_39 = vector.multi_reduction <add>, %add3A_38, %reduce_sum3A [0] : vector<2048x64xf32> to vector<64xf32>
    %broadcast_in_dim3A = vector.shape_cast %reduce_sum3A_39 : vector<64xf32> to vector<1x64xf32>
    %mul3A_40 = arith.mulf %add3A_38, %add3A_38 : vector<2048x64xf32>
    %reduce_sum3A_41 = arith.constant dense<0.000000e+00> : vector<64xf32>
    %reduce_sum3A_42 = vector.multi_reduction <add>, %mul3A_40, %reduce_sum3A_41 [0] : vector<2048x64xf32> to vector<64xf32>
    %broadcast_in_dim3A_43 = vector.shape_cast %reduce_sum3A_42 : vector<64xf32> to vector<1x64xf32>
    %eq3A = arith.constant 0 : i32
    %eq3A_44 = arith.cmpi eq, %arg0, %eq3A : i32
    %convert_element_type3A = arith.extui %eq3A_44 : i1 to i32
    %cond3A = arith.constant 0 : i32
    %cond3A_45 = arith.cmpi ne, %convert_element_type3A, %cond3A : i32
    scf.if %cond3A_45 {
      %swap3A_57 = arith.constant 0 : index
      %swap3A_58 = arith.constant 0 : index
      %swap3A_59 = vector.load %arg9[%swap3A_57, %swap3A_58] : memref<2x64xf32, #tpu.memory_space<vmem>>, vector<1x64xf32>
      tpu.vector_store %arg9[%swap3A_57, %swap3A_58], %broadcast_in_dim3A {strides = array<i32>} : memref<2x64xf32, #tpu.memory_space<vmem>>, vector<1x64xf32>,
      %swap3A_60 = arith.constant 1 : index
      %swap3A_61 = arith.constant 0 : index
      %swap3A_62 = vector.load %arg9[%swap3A_60, %swap3A_61] : memref<2x64xf32, #tpu.memory_space<vmem>>, vector<1x64xf32>
      tpu.vector_store %arg9[%swap3A_60, %swap3A_61], %broadcast_in_dim3A_43 {strides = array<i32>} : memref<2x64xf32, #tpu.memory_space<vmem>>, vector<1x64xf32>,
    } else {
    }
    %gt3A = arith.constant 0 : i32
    %gt3A_46 = arith.cmpi sgt, %arg0, %gt3A : i32
    %convert_element_type3A_47 = arith.extui %gt3A_46 : i1 to i32
    %cond3A_48 = arith.constant 0 : i32
    %cond3A_49 = arith.cmpi ne, %convert_element_type3A_47, %cond3A_48 : i32
    scf.if %cond3A_49 {
      %get3A_57 = arith.constant 0 : index
      %get3A_58 = arith.constant 0 : index
      %get3A_59 = vector.load %arg9[%get3A_57, %get3A_58] : memref<2x64xf32, #tpu.memory_space<vmem>>, vector<1x64xf32>
      %add3A_60 = arith.addf %get3A_59, %broadcast_in_dim3A : vector<1x64xf32>
      %swap3A_61 = arith.constant 0 : index
      %swap3A_62 = arith.constant 0 : index
      %swap3A_63 = vector.load %arg9[%swap3A_61, %swap3A_62] : memref<2x64xf32, #tpu.memory_space<vmem>>, vector<1x64xf32>
      tpu.vector_store %arg9[%swap3A_61, %swap3A_62], %add3A_60 {strides = array<i32>} : memref<2x64xf32, #tpu.memory_space<vmem>>, vector<1x64xf32>,
      %get3A_64 = arith.constant 1 : index
      %get3A_65 = arith.constant 0 : index
      %get3A_66 = vector.load %arg9[%get3A_64, %get3A_65] : memref<2x64xf32, #tpu.memory_space<vmem>>, vector<1x64xf32>
      %add3A_67 = arith.addf %get3A_66, %broadcast_in_dim3A_43 : vector<1x64xf32>
      %swap3A_68 = arith.constant 1 : index
      %swap3A_69 = arith.constant 0 : index
      %swap3A_70 = vector.load %arg9[%swap3A_68, %swap3A_69] : memref<2x64xf32, #tpu.memory_space<vmem>>, vector<1x64xf32>
      tpu.vector_store %arg9[%swap3A_68, %swap3A_69], %add3A_67 {strides = array<i32>} : memref<2x64xf32, #tpu.memory_space<vmem>>, vector<1x64xf32>,
    } else {
    }
    %swap3A = arith.constant 0 : index
    %swap3A_50 = arith.constant 0 : index
    %swap3A_51 = vector.load %arg7[%swap3A, %swap3A_50] : memref<2048x64xf32, #tpu.memory_space<vmem>>, vector<2048x64xf32>
    tpu.vector_store %arg7[%swap3A, %swap3A_50], %add3A_38 {strides = array<i32>} : memref<2048x64xf32, #tpu.memory_space<vmem>>, vector<2048x64xf32>,
    %eq3A_52 = arith.constant 63 : i32
    %eq3A_53 = arith.cmpi eq, %arg0, %eq3A_52 : i32
    %convert_element_type3A_54 = arith.extui %eq3A_53 : i1 to i32
    %cond3A_55 = arith.constant 0 : i32
    %cond3A_56 = arith.cmpi ne, %convert_element_type3A_54, %cond3A_55 : i32
    scf.if %cond3A_56 {
      %get3A_57 = arith.constant 0 : index
      %get3A_58 = arith.constant 0 : index
      %get3A_59 = vector.load %arg9[%get3A_57, %get3A_58] : memref<2x64xf32, #tpu.memory_space<vmem>>, vector<2x64xf32>
      %swap3A_60 = arith.constant 0 : index
      %swap3A_61 = arith.constant 0 : index
      %swap3A_62 = vector.load %arg8[%swap3A_60, %swap3A_61] : memref<2x64xf32, #tpu.memory_space<vmem>>, vector<2x64xf32>
      tpu.vector_store %arg8[%swap3A_60, %swap3A_61], %get3A_59 {strides = array<i32>} : memref<2x64xf32, #tpu.memory_space<vmem>>, vector<2x64xf32>,
    } else {
    }
    return
  }
  func.func @transform_0(%arg0: i32) -> (i32, i32) {
    %c0_i32 = arith.constant 0 : i32
    %c0_i32_0 = arith.constant 0 : i32
    return %arg0, %c0_i32 : i32, i32
  }
  func.func @transform_1(%arg0: i32) -> (i32, i32) {
    %c0_i32 = arith.constant 0 : i32
    %c0_i32_0 = arith.constant 0 : i32
    %c0_i32_1 = arith.constant 0 : i32
    return %c0_i32, %c0_i32_0 : i32, i32
  }
  func.func @transform_2(%arg0: i32) -> (i32, i32) {
    %c0_i32 = arith.constant 0 : i32
    %c0_i32_0 = arith.constant 0 : i32
    %c0_i32_1 = arith.constant 0 : i32
    return %c0_i32, %c0_i32_0 : i32, i32
  }
  func.func @transform_3(%arg0: i32) -> (i32, i32) {
    %c0_i32 = arith.constant 0 : i32
    %c0_i32_0 = arith.constant 0 : i32
    %c0_i32_1 = arith.constant 0 : i32
    return %c0_i32, %c0_i32_0 : i32, i32
  }
  func.func @transform_4(%arg0: i32) -> (i32, i32) {
    %c0_i32 = arith.constant 0 : i32
    %c0_i32_0 = arith.constant 0 : i32
    %c0_i32_1 = arith.constant 0 : i32
    return %c0_i32, %c0_i32_0 : i32, i32
  }
  func.func @transform_5(%arg0: i32) -> (i32, i32) {
    %c0_i32 = arith.constant 0 : i32
    %c0_i32_0 = arith.constant 0 : i32
    %c0_i32_1 = arith.constant 0 : i32
    return %c0_i32, %c0_i32_0 : i32, i32
  }
  func.func @transform_6(%arg0: i32) -> (i32, i32) {
    %c0_i32 = arith.constant 0 : i32
    %c0_i32_0 = arith.constant 0 : i32
    return %arg0, %c0_i32 : i32, i32
  }
  func.func @transform_7(%arg0: i32) -> (i32, i32) {
    %c0_i32 = arith.constant 0 : i32
    %c0_i32_0 = arith.constant 0 : i32
    %c0_i32_1 = arith.constant 0 : i32
    return %c0_i32, %c0_i32_0 : i32, i32
  }
}

module attributes {stable_mosaic.version = 14 : i64} {
  func.func @_mlp_final_body(%arg0: i32, %arg1: memref<2048x64xf32, #tpu.memory_space<vmem>>, %arg2: memref<2x64xf32, #tpu.memory_space<vmem>>, %arg3: memref<1x64xf32, #tpu.memory_space<vmem>>, %arg4: memref<1x64xf32, #tpu.memory_space<vmem>>, %arg5: memref<64x64xf32, #tpu.memory_space<vmem>>) attributes {dimension_semantics = [#tpu.dimension_semantics<arbitrary>], iteration_bounds = array<i64: 64>, scalar_prefetch = 0 : i64, scratch_operands = 0 : i64, tpu.core_type = #tpu.core_type<tc>, window_params = [{transform_indices = @transform_0, window_bounds = array<i64: 2048, 64>}, {pipeline_mode = #tpu.pipeline_mode<synchronous>, transform_indices = @transform_1, window_bounds = array<i64: 2, 64>}, {pipeline_mode = #tpu.pipeline_mode<synchronous>, transform_indices = @transform_2, window_bounds = array<i64: 1, 64>}, {pipeline_mode = #tpu.pipeline_mode<synchronous>, transform_indices = @transform_3, window_bounds = array<i64: 1, 64>}, {transform_indices = @transform_4, window_bounds = array<i64: 64, 64>}]} {
    %get3A = arith.constant 0 : index
    %get3A_0 = arith.constant 0 : index
    %get3A_1 = vector.load %arg2[%get3A, %get3A_0] : memref<2x64xf32, #tpu.memory_space<vmem>>, vector<1x64xf32>
    %div3A = arith.constant 1.310720e+05 : f32
    %div3A_2 = vector.broadcast %div3A : f32 to vector<1x64xf32>
    %div3A_3 = arith.divf %get3A_1, %div3A_2 : vector<1x64xf32>
    %get3A_4 = arith.constant 1 : index
    %get3A_5 = arith.constant 0 : index
    %get3A_6 = vector.load %arg2[%get3A_4, %get3A_5] : memref<2x64xf32, #tpu.memory_space<vmem>>, vector<1x64xf32>
    %div3A_7 = arith.constant 1.310720e+05 : f32
    %div3A_8 = vector.broadcast %div3A_7 : f32 to vector<1x64xf32>
    %div3A_9 = arith.divf %get3A_6, %div3A_8 : vector<1x64xf32>
    %mul3A = arith.mulf %div3A_3, %div3A_3 : vector<1x64xf32>
    %sub3A = arith.subf %div3A_9, %mul3A : vector<1x64xf32>
    %get3A_10 = arith.constant 0 : index
    %get3A_11 = arith.constant 0 : index
    %get3A_12 = vector.load %arg3[%get3A_10, %get3A_11] : memref<1x64xf32, #tpu.memory_space<vmem>>, vector<1x64xf32>
    %add3A = arith.constant 9.99999974E-6 : f32
    %add3A_13 = vector.broadcast %add3A : f32 to vector<1x64xf32>
    %add3A_14 = arith.addf %sub3A, %add3A_13 : vector<1x64xf32>
    %sqrt3A = math.sqrt %add3A_14 : vector<1x64xf32>
    %div3A_15 = arith.divf %get3A_12, %sqrt3A : vector<1x64xf32>
    %get3A_16 = arith.constant 0 : index
    %get3A_17 = arith.constant 0 : index
    %get3A_18 = vector.load %arg4[%get3A_16, %get3A_17] : memref<1x64xf32, #tpu.memory_space<vmem>>, vector<1x64xf32>
    %mul3A_19 = arith.mulf %div3A_3, %div3A_15 : vector<1x64xf32>
    %sub3A_20 = arith.subf %get3A_18, %mul3A_19 : vector<1x64xf32>
    %get3A_21 = arith.constant 0 : index
    %get3A_22 = arith.constant 0 : index
    %get3A_23 = vector.load %arg1[%get3A_21, %get3A_22] : memref<2048x64xf32, #tpu.memory_space<vmem>>, vector<2048x64xf32>
    %mul3A_24 = vector.broadcast %div3A_15 : vector<1x64xf32> to vector<2048x64xf32>
    %mul3A_25 = arith.mulf %get3A_23, %mul3A_24 : vector<2048x64xf32>
    %add3A_26 = vector.broadcast %sub3A_20 : vector<1x64xf32> to vector<2048x64xf32>
    %add3A_27 = arith.addf %mul3A_25, %add3A_26 : vector<2048x64xf32>
    %max3A = arith.constant 0.000000e+00 : f32
    %max3A_28 = vector.broadcast %max3A : f32 to vector<2048x64xf32>
    %max3A_29 = arith.maximumf %add3A_27, %max3A_28 : vector<2048x64xf32>
    %reshape3A = vector.shape_cast %max3A_29 : vector<2048x64xf32> to vector<64x32x64xf32>
    %reduce_max3A = arith.constant dense<0xFF800000> : vector<64x64xf32>
    %reduce_max3A_30 = vector.multi_reduction <maximumf>, %reshape3A, %reduce_max3A [1] : vector<64x32x64xf32> to vector<64x64xf32>
    %swap3A = arith.constant 0 : index
    %swap3A_31 = arith.constant 0 : index
    %swap3A_32 = vector.load %arg5[%swap3A, %swap3A_31] : memref<64x64xf32, #tpu.memory_space<vmem>>, vector<64x64xf32>
    tpu.vector_store %arg5[%swap3A, %swap3A_31], %reduce_max3A_30 {strides = array<i32>} : memref<64x64xf32, #tpu.memory_space<vmem>>, vector<64x64xf32>,
    return
  }
  func.func @transform_0(%arg0: i32) -> (i32, i32) {
    %c0_i32 = arith.constant 0 : i32
    %c0_i32_0 = arith.constant 0 : i32
    return %arg0, %c0_i32 : i32, i32
  }
  func.func @transform_1(%arg0: i32) -> (i32, i32) {
    %c0_i32 = arith.constant 0 : i32
    %c0_i32_0 = arith.constant 0 : i32
    %c0_i32_1 = arith.constant 0 : i32
    return %c0_i32, %c0_i32_0 : i32, i32
  }
  func.func @transform_2(%arg0: i32) -> (i32, i32) {
    %c0_i32 = arith.constant 0 : i32
    %c0_i32_0 = arith.constant 0 : i32
    %c0_i32_1 = arith.constant 0 : i32
    return %c0_i32, %c0_i32_0 : i32, i32
  }
  func.func @transform_3(%arg0: i32) -> (i32, i32) {
    %c0_i32 = arith.constant 0 : i32
    %c0_i32_0 = arith.constant 0 : i32
    %c0_i32_1 = arith.constant 0 : i32
    return %c0_i32, %c0_i32_0 : i32, i32
  }
  func.func @transform_4(%arg0: i32) -> (i32, i32) {
    %c0_i32 = arith.constant 0 : i32
    %c0_i32_0 = arith.constant 0 : i32
    return %arg0, %c0_i32 : i32, i32
  }
}

</mosaic_0001>

<sc_bundles>
// kernel: kernel.9.cloned.1.call-start
scs
__scs_entry_jumppad:
0x0: {  	(pc) =	sbr.rel $0x88, $3  }
0x1: {  	(tag) =	ssettag $0x0;
	lr =	simm.s32 $0x1  }
0x2: {  	[smem:$0x3F93] =	sst lr;
	_ =	strace $0xD0000000  }
0x3: {  	_ = 	snop  }
0x4: {  	_ = 	snop  }
0x5: {  	_ = 	snop  }
0x6: {  	_ = 	snop  }
0x7: {  	_ = 	snop  }
__scs_overlays_trampoline_lowered:
0x8: {  	[smem:$0x3FA2] =	sst s0  }
0x9: {  	[smem:$0x3FA3] =	sst s1  }
0xa: {  	[smem:$0x3FA4] =	sst s2  }
0xb: {  	[smem:$0x3FA5] =	sst s3  }
0xc: {  	[smem:$0x3FA6] =	sst s4  }
0xd: {  	[smem:$0x3FA7] =	sst s5  }
0xe: {  	[smem:$0x3FA8] =	sst s6  }
0xf: {  	[smem:$0x3FA9] =	sst s7  }
0x10: {  	[smem:$0x3FAA] =	sst s8  }
0x11: {  	[smem:$0x3FAB] =	sst s9;
	s0 =	simm.s32 @!p0 $0x0  }
0x12: {  	s1 =	sld [smem:$0x3F91];
	s0 =	simm.s32 @p0 $0x1  }
0x13: {  	[smem:$0x3FAC] =	sst s0;
	s0 =	simm.s32 @!p1 $0x0  }
0x14: {  	s2 =	sld [smem:$0x3F90];
	s0 =	simm.s32 @p1 $0x1  }
0x15: {  	[smem:$0x3FAD] =	sst s0;
	s0 =	simm.s32 @!p2 $0x0  }
0x16: {  	s3 =	sld [smem:$0x3FDB];
	s0 =	simm.s32 @p2 $0x1  }
0x17: {  	s4 =	simm.s32 $0x1BF5;
	[smem:$0x3FAF] =	sst s0  }
0x18: {  	s0 =	sld [smem:$0x3F92];
	_ =	swait.ge [sflag:s4], $0x0  }
0x19: {  	s7 =	sld [smem:$0x3F93]  }
0x1a: {  	s8 =	sadd.s32 $0xFFFFE003, lr  }
0x1b: {  	s9 =	sadd.s32 $0xFFFFFEF7, lr;
	s5 =	simm.s32 $0xFFFFFFFF;
	p2 =	slt.u32 s8, $0xFFFFF086  }
0x1c: {  	p1 =	slt.u32 s9, $0xF7A;
	s5 =	simm.s32 @!p2 $0x0  }
0x1d: {  	s5 =	simm.s32 @p1 $0x1;
	p0 =	seq.s32 s7, s2  }
0x1e: {  	s7 =	smul.u32 @!p0 $0xF7A, s2;
	p2 =	seq.s32 @!p0 s5, $0x0  }
0x1f: {  	s9 =	smul.u32 $0xF7A, s1;
	s8 =	simm.s32 @!p0 $0x1BF5;
	p2 =	por !p2, p0  }
0x20: {  	[sflag:s8] =	ssyncset.s32 @!p0 $0xFFFFF086;
	s6 =	sadd.s32 @!p0 s3, s7;
	s7 =	simm.s32 @!p0 $0x108  }
0x21: {  	s3 =	sadd.s32 s3, s9;
	s6 =	sadd.s32 @!p0 $0x88, s6;
	s7 =	simm.s32 @p2 $0x1082  }
0x22: {  	[simem:s7], [sflag:s8] =	dma.local @!p0 [hbm:s6], $0xF7A  }
0x23: {  	s9 =	sor.u32 $0xD0000000, s2;
	s6 =	simm.s32 $0x108;
	_ =	swait.ge @!p0 [sflag:s8], $0x0  }
0x24: {  	s3 =	sadd.s32 $0x88, s3;
	s6 =	simm.s32 @!p1 $0x1082;
	[sflag:s4] =	ssyncset.s32 $0xFFFFF086  }
0x25: {  	[simem:s6], [sflag:s4] =	dma.local [hbm:s3], $0xF7A  }
0x26: {  	[smem:$0x3F93] =	sst s1;
	(tag) =	ssettag s2;
	_ =	strace s9  }
0x27: {  	s1 =	sld [smem:$0x3FA3]  }
0x28: {  	s2 =	sld [smem:$0x3FA4]  }
0x29: {  	s4 =	sld [smem:$0x3FA6]  }
0x2a: {  	p0 =	seq.s32 s5, $0x0;
	s5 =	sld [smem:$0x3FA7]  }
0x2b: {  	s6 =	sld [smem:$0x3FA8]  }
0x2c: {  	s7 =	sld [smem:$0x3FA9]  }
0x2d: {  	s3 =	simm.s32 $0x108;
	s8 =	sld [smem:$0x3FAA]  }
0x2e: {  	s3 =	simm.s32 @!p0 $0x1082;
	s9 =	sld [smem:$0x3FAB]  }
0x2f: {  	lr =	sadd.s32 s0, s3;
	s0 =	sld [smem:$0x3FA2]  }
0x30: {  	s3 =	sld [smem:$0x3FA5]  }
0x31: {  	[smem:$0x3FAE] =	sst s10  }
0x32: {  	s10 =	sld [smem:$0x3FAC];
	_ =	sdelay $0x3  }
0x33: {  	p0 =	seq.s32 s10, $0x1;
	s10 =	sld [smem:$0x3FAE];
	_ =	sdelay $0x3  }
0x34: {  	[smem:$0x3FAE] =	sst s10  }
0x35: {  	s10 =	sld [smem:$0x3FAD];
	_ =	sdelay $0x3  }
0x36: {  	p1 =	seq.s32 s10, $0x1;
	s10 =	sld [smem:$0x3FAE];
	_ =	sdelay $0x3  }
0x37: {  	[smem:$0x3FAE] =	sst s10  }
0x38: {  	s10 =	sld [smem:$0x3FAF]  }
0x39: {  	_ = 	snop;
	(pc) =	sbr.ind lr, $3  }
0x3a: {  	_ = 	snop  }
0x3b: {  	_ = 	snop  }
0x3c: {  	p2 =	seq.s32 s10, $0x1;
	s10 =	sld [smem:$0x3FAE]  }
0x3d: {  	_ =	shalt  }
0x3e: {  	_ =	shalt  }
0x3f: {  	_ =	shalt  }
0x40: {  	_ =	shalt  }
0x41: {  	_ =	shalt  }
0x42: {  	_ =	shalt  }
0x43: {  	_ =	shalt  }
0x44: {  	_ =	shalt  }
0x45: {  	_ =	shalt  }
0x46: {  	_ =	shalt  }
0x47: {  	_ =	shalt  }
0x48: {  	_ =	shalt  }
0x49: {  	_ =	shalt  }
0x4a: {  	_ =	shalt  }
0x4b: {  	_ =	shalt  }
0x4c: {  	_ =	shalt  }
0x4d: {  	_ =	shalt  }
0x4e: {  	_ =	shalt  }
0x4f: {  	_ =	shalt  }
0x50: {  	_ =	shalt  }
0x51: {  	_ =	shalt  }
0x52: {  	_ =	shalt  }
0x53: {  	_ =	shalt  }
0x54: {  	_ =	shalt  }
0x55: {  	_ =	shalt  }
0x56: {  	_ =	shalt  }
0x57: {  	_ =	shalt  }
0x58: {  	_ =	shalt  }
0x59: {  	_ =	shalt  }
0x5a: {  	_ =	shalt  }
0x5b: {  	_ =	shalt  }
0x5c: {  	_ =	shalt  }
0x5d: {  	_ =	shalt  }
0x5e: {  	_ =	shalt  }
0x5f: {  	_ =	shalt  }
0x60: {  	_ =	shalt  }
0x61: {  	_ =	shalt  }
0x62: {  	_ =	shalt  }
0x63: {  	_ =	shalt  }
0x64: {  	_ =	shalt  }
0x65: {  	_ =	shalt  }
0x66: {  	_ =	shalt  }
0x67: {  	_ =	shalt  }
0x68: {  	_ =	shalt  }
0x69: {  	_ =	shalt  }
0x6a: {  	_ =	shalt  }
0x6b: {  	_ =	shalt  }
0x6c: {  	_ =	shalt  }
0x6d: {  	_ =	shalt  }
0x6e: {  	_ =	shalt  }
0x6f: {  	_ =	shalt  }
0x70: {  	_ =	shalt  }
0x71: {  	_ =	shalt  }
0x72: {  	_ =	shalt  }
0x73: {  	_ =	shalt  }
0x74: {  	_ =	shalt  }
0x75: {  	_ =	shalt  }
0x76: {  	_ =	shalt  }
0x77: {  	_ =	shalt  }
0x78: {  	_ =	shalt  }
0x79: {  	_ =	shalt  }
0x7a: {  	_ =	shalt  }
0x7b: {  	_ =	shalt  }
0x7c: {  	_ =	shalt  }
0x7d: {  	_ =	shalt  }
0x7e: {  	_ =	shalt  }
0x7f: {  	_ =	shalt  }
0x80: {  	_ =	shalt  }
0x81: {  	_ =	shalt  }
0x82: {  	_ =	shalt  }
0x83: {  	_ =	shalt  }
0x84: {  	_ =	shalt  }
0x85: {  	_ =	shalt  }
0x86: {  	_ =	shalt  }
0x87: {  	_ =	shalt  }
.Lfunc_end0:
.L_simem_size_0:
called_computation_lowered:
.L_overlay_start_0:
0x88: {  	s2 =	sld [smem:$0x3FD9]  }
0x89: {  	s3 =	sld [smem:$0x3FFE];
	_ =	sdelay $0x1  }
0x8a: {  	s1 =	srdreg.scid  }
0x8b: {  	s0 =	sand.u32 $0x1, s1  }
0x8c: {  	s14 =	sshll.u32 s0, $0xA;
	s2 =	sadd.s32 s3, s2  }
0x8d: {  	s2 =	sadd.s32 s2, s14  }
0x8e: {  	[smem:$0x3FBA] =	sst s2  }
0x8f: {  	_ = 	snop  }
0x90: {  	s2 =	sld [smem:$0x3FD0];
	_ =	sdelay $0x2  }
0x91: {  	s15 =	simm.s32 $0xA;
	s4 =	simm.s32 $0x10  }
0x92: {  	[smem:s4], [sflag:s15] =	dma.local [hbm:s2], $0x1  }
0x93: {  	_ =	swait.eq [sflag:s15], $0x1  }
0x94: {  	[sflag:s15] =	ssyncset.done $0x0  }
0x95: {  	[sflag:s15] =	ssyncadd.s32 $0xFFFFFFFF  }
0x96: {  	s16 =	sld [smem:$0x11];
	(tm) =	ssettm $0x1  }
0x97: {  	s17 =	sld [smem:$0x3FFB];
	_ =	sdelay $0x3  }
0x98: {  	_ =	strace s17  }
0x99: {  	s3 =	sld [smem:$0x3FFC];
	_ =	sdelay $0x3  }
0x9a: {  	_ =	strace s3  }
0x9b: {  	s3 =	sld [smem:$0x3FFD];
	_ =	sdelay $0x3  }
0x9c: {  	_ =	strace s3  }
0x9d: {  	_ =	strace $0x8FFFFFFF  }
0x9e: {  	s18 =	sld [smem:$0x3FDB];
	_ =	sdelay $0x1  }
0x9f: {  	s19 =	simm.s32 $_scs_section_size  }
0xa0: {  	s5 =	simm.s32 $_size__tile_overlayer_lowered;
	s6 =	simm.s32 $_tile_overlayer_lowered  }
0xa1: {  	s22 =	simm.s32 $0x1BFF;
	s21 =	sshll.u32 s6, $0x1;
	s3 =	sadd.s32 s19, s18  }
0xa2: {  	s7 =	simm.s32 $0x0;
	s20 =	sshll.u32 s5, $0x1;
	s5 =	sadd.s32 s21, s3  }
0xa3: {  	[timem:s7], [sflag:s22] =	dma.local [hbm:s5], s20  }
0xa4: {  	_ =	swait.ge [sflag:s22], s20  }
0xa5: {  	s4 =	ssub.s32 $0x0, s20;
	[sflag:s22] =	ssyncset.done $0x0  }
0xa6: {  	[sflag:s22] =	ssyncadd.s32 s4;
	_ =	sdelay $0x1  }
0xa7: {  	s23 =	simm.s32 $0x1B8B  }
0xa8: {  	_ =	swait.ge [sflag:s23], $0x1  }
0xa9: {  	[sflag:s23] =	ssyncset.done $0x0  }
0xaa: {  	s25 =	simm.s32 $0x1B8E;
	s24 =	sld [smem:$0x3FFE];
	[sflag:s23] =	ssyncadd.s32 $0xFFFFFFFF  }
0xab: {  	s26 =	simm.s32 $execute0_lowered;
	[smem:$0x3FD2] =	sst s25  }
0xac: {  	s5 =	sshll.u32 s26, $0x1;
	_ =	strace $0x80000046;
	[dreg:$0x1] =	wrdreg $0xFFFFFFFF  }
0xad: {  	s28 =	simm.s32 $_size_execute0_lowered;
	s3 =	sadd.s32 s3, s5;
	[dreg:$0x0] =	wrdreg $0x0  }
0xae: {  	s5 =	sshll.u32 s28, $0x1;
	[dreg:$0x2] =	wrdreg s3  }
0xaf: {  	[dreg:$0x3] =	wrdreg s5  }
0xb0: {  	[dreg:$0x4] =	wrdreg $0xC0  }
0xb1: {  	_ =	task [dreg:s7], $0x5FFFF  }
0xb2: {  	[dreg:$0x1] =	wrdreg $0xFFFFFFFF  }
0xb3: {  	[dreg:$0x0] =	wrdreg $0x60  }
0xb4: {  	[dreg:$0x2] =	wrdreg s24  }
0xb5: {  	[dreg:$0x3] =	wrdreg s16  }
0xb6: {  	[dreg:$0x4] =	wrdreg $0x9  }
0xb7: {  	_ =	task.clear_ibuf [dreg:s7], $0x5FFFF;
	_ =	strace $0x90000046  }
0xb8: {  	s29 =	simm.s32 $0x9;
	_ =	strace $0x80000048  }
0xb9: {  	_ =	swait.ge [sflag:s29], $0x1  }
0xba: {  	[sflag:s29] =	ssyncadd.s32 $0xFFFFFFFF  }
0xbb: {  	_ =	strace $0x90000048  }
0xbc: {  	_ =	sfence  }
0xbd: {  	s30 =	sld [smem:$0x0];
	_ =	sdelay $0x2  }
0xbe: {  	s31 =	sshll.u32 s1, $0xD;
	s1 =	sshrl.u32 s1, $0x2  }
0xbf: {  	s3 =	sand.u32 $0x4000, s31;
	s1 =	sadd.s32 s1, s30  }
0xc0: {  	s0 =	sor.u32 s3, s0;
	s1 =	sshll.u32 s1, $0x11  }
0xc1: {  	s0 =	sor.u32 s1, s0  }
0xc2: {  	s0 =	sadd.s32 $0x8F2B, s0  }
0xc3: {  	[sflag:s0] =	ssyncadd.remote.s32 $0x1  }
0xc4: {  	_ =	sfence.sel $0xFFFF  }
0xc5: {  	[dreg:$0x0] =	wrdreg $0xFFFFFFFF;
	(pc) =	sbr.abs _section_cstart, $3  }
0xc6: {  	[dreg:$0x1] =	wrdreg $0xFFFFFFFF  }
0xc7: {  	_ =	task.clear_ibuf [dreg:s7], $0x2FFFF;
	_ =	strace $0x9FFFFFFF  }
0xc8: {  	(tm) =	ssettm $0x7FFFFFFF  }
0xc9: {  	_ =	shalt  }
tec
execute0_lowered:
.L_overlay_start_1:
0x0: {  	(tag) =	ssettag $0x1  }
0x1: {  	s4 =	rddreg [dreg:$0x0]  }
0x2: {  	s6 =	rddreg [dreg:$0x1]  }
0x3: {  	s0 =	rddreg [dreg:$0x2];
	s2 =	simm.s32 $0x0;
	s1 =	stileid.u32  }
0x4: {  	s3 =	srdreg.scid;
	[smem:$0x7FF] =	sst s2  }
0x5: {  	s5 =	sshll.u32 s1, $0x11;
	s7 =	sand.u32 $0x1, s3;
	s3 =	sadd.s32 $0x2000, s4  }
0x6: {  	s9 =	sshll.u32 s1, $0xD;
	_ =	strace $0x80000047;
	s5 =	sadd.s32 s5, s4  }
0x7: {  	s29 =	ssub.s32 $0x2, s7;
	s10 =	sshll.u32 s7, $0xC;
	s7 =	sshll.u32 s7, $0x10  }
0x8: {  	s8 =	sshrl.u32 s29, $0x1;
	s30 =	sor.u32 s10, s9;
	s5 =	sadd.s32 s7, s5  }
0x9: {  	s7 =	simm.s32 $0x2;
	s9 =	simm.s32 $0x1;
	s10 =	simm.s32 $0x0  }
0xa: {  	s4 =	ssub.s32 s29, s8;
	s31 =	sshrl.u32 s30, $0x3;
	s5 =	sadd.s32 $0x82000, s5  }
0xb: {  	s8 =	simm.s32 $0x200;
	s4 =	smax.u32 s4, $0x1;
	s6 =	sadd.s32 s31, s6  }
.LBB2_1:
0xc: {  	s11 =	sadd.s32 $0x0, s6  }
0xd: {  	[tilespmem:s2], [sflag:$0x2] =	stream.linear.gather [hbm4b:s11+s2], $0x200, $0x38;
	[tilespmem:$0x10200] =	vst v63  }
0xe: {  	_ =	swait.ge [sflag:s7], $0x200  }
0xf: {  	[sflag:s7] =	ssyncset.done $0x0  }
0x10: {  	[sflag:s7] =	ssyncadd.s32 $0xFFFFFE00  }
0x11: {  	[tilespmem:s8], [sflag:$0x1] =	stream.indirect.gather [hbm4b:s3+s8], $0x80, s2, s8, $0xb8;
	[tilespmem:$0x10200] =	vst v63  }
0x12: {  	_ =	swait.ge [sflag:s9], $0x10000  }
0x13: {  	[sflag:s9] =	ssyncset.done $0x0  }
0x14: {  	[sflag:s9] =	ssyncadd.s32 $0xFFFF0000  }
0x15: {  	[hbm4b:s5+s2] =	stream.linear.scatter [tilespmem:s8], [sflag:$0x2], $0x10000, $0x38;
	[tilespmem:$0x10200] =	vst v63  }
0x16: {  	s12 =	simm.s32 $0x40;
	_ =	swait.ge [sflag:s7], $0x10000  }
0x17: {  	s13 =	simm.s32 $0x80;
	s11 =	sadd.s32 $0x2000, s5;
	[sflag:s7] =	ssyncset.done $0x0  }
.LBB2_2:
0x18: {  	s14 =	sadd.s32 s12, s6  }
0x19: {  	[sflag:s7] =	ssyncadd.s32 $0xFFFF0000;
	s12 =	smov.u32 s13;
	s15 =	sadd.s32 $0x40, s13  }
0x1a: {  	[tilespmem:s2], [sflag:$0x2] =	stream.linear.gather [hbm4b:s14+s2], $0x200, $0x38;
	[tilespmem:$0x10200] =	vst v63  }
0x1b: {  	p0 =	sne.s32 s13, $0x1C0;
	_ =	swait.ge [sflag:s7], $0x200  }
0x1c: {  	[sflag:s7] =	ssyncset.done $0x0  }
0x1d: {  	[sflag:s7] =	ssyncadd.s32 $0xFFFFFE00  }
0x1e: {  	[tilespmem:s8], [sflag:$0x1] =	stream.indirect.gather [hbm4b:s3+s8], $0x80, s2, s8, $0xb8;
	[tilespmem:$0x10200] =	vst v63  }
0x1f: {  	_ =	swait.ge [sflag:s9], $0x10000  }
.Ltmp0:
0x20: {  	[sflag:s9] =	ssyncset.done $0x0;
	(pc) =	sbr.rel @p0 .LBB2_2-.Ltmp0, $4  }
0x21: {  	[sflag:s9] =	ssyncadd.s32 $0xFFFF0000  }
0x22: {  	[hbm4b:s11+s2] =	stream.linear.scatter [tilespmem:s8], [sflag:$0x2], $0x10000, $0x38;
	[tilespmem:$0x10200] =	vst v63  }
0x23: {  	_ =	swait.ge [sflag:s7], $0x10000  }
0x24: {  	s13 =	smov.u32 s15;
	s11 =	sadd.s32 $0x2000, s11;
	[sflag:s7] =	ssyncset.done $0x0  }
0x25: {  	s12 =	sadd.s32 s12, s6;
	[sflag:s7] =	ssyncadd.s32 $0xFFFF0000  }
0x26: {  	[tilespmem:s2], [sflag:$0x2] =	stream.linear.gather [hbm4b:s12+s2], $0x200, $0x38;
	[tilespmem:$0x10200] =	vst v63  }
0x27: {  	_ =	swait.ge [sflag:s7], $0x200  }
0x28: {  	[sflag:s7] =	ssyncset.done $0x0  }
0x29: {  	[sflag:s7] =	ssyncadd.s32 $0xFFFFFE00  }
0x2a: {  	[tilespmem:s8], [sflag:$0x1] =	stream.indirect.gather [hbm4b:s3+s8], $0x80, s2, s8, $0xb8;
	[tilespmem:$0x10200] =	vst v63  }
0x2b: {  	s10 =	sadd.s32 $0x1, s10;
	_ =	swait.ge [sflag:s9], $0x10000  }
0x2c: {  	p0 =	sne.s32 s10, s4;
	[sflag:s9] =	ssyncset.done $0x0  }
.Ltmp1:
0x2d: {  	[sflag:s9] =	ssyncadd.s32 $0xFFFF0000;
	(pc) =	sbr.rel @p0 .LBB2_1-.Ltmp1, $4  }
0x2e: {  	[hbm4b:s11+s2] =	stream.linear.scatter [tilespmem:s8], [sflag:$0x2], $0x10000, $0x38;
	[tilespmem:$0x10200] =	vst v63  }
0x2f: {  	_ =	swait.ge [sflag:s7], $0x10000  }
0x30: {  	[sflag:s7] =	ssyncset.done $0x0  }
0x31: {  	[sflag:s7] =	ssyncadd.s32 $0xFFFF0000  }
0x32: {  	_ =	sfence.sel $0x180000  }
0x33: {  	[bflag:$0x0] =	sbarrier.arrive $0xFFFF  }
0x34: {  	p0 =	sne.s32 s1, $0x0;
	_ =	strace $0x90000047  }
0x35: {  	s0 =	sadd.s32 @!p0 $0x100000, s0;
	[bflag:$0x2] =	sbarrier.arrive $0xFFFF  }
0x36: {  	[sflag:s0] =	ssyncadd.tile.s32 @!p0 $0x1;
	_ =	shalt  }
.Lfunc_end2:
_tile_overlayer_lowered:
.L_overlay_start_2:
0x37: {  	(tag) =	ssettag $0x2  }
0x38: {  	s0 =	rddreg [dreg:$0x0];
	s2 =	stileid.u32  }
0x39: {  	s1 =	rddreg [dreg:$0x1];
	p0 =	sne.s32 s2, $0x0  }
0x3a: {  	s3 =	rddreg [dreg:$0x2];
	[bflag:$0x3] =	sbarrier.arrive $0xFFFF;
	s2 =	simm.s32 @!p0 $0x1C02  }
0x3b: {  	[timem:s3], [sflag:s2] =	dma.local @!p0 [hbm:s0], s1  }
0x3c: {  	s0 =	simm.s32 @!p0 $0x2  }
0x3d: {  	_ =	swait.ge @!p0 [sflag:s0], s1  }
0x3e: {  	s1 =	ssub.s32 @!p0 $0x0, s1;
	[sflag:s0] =	ssyncset.done @!p0 $0x0  }
0x3f: {  	[sflag:s0] =	ssyncadd.s32 @!p0 s1  }
0x40: {  	[bflag:$0x3] =	sbarrier.arrive $0xFFFF  }
0x41: {  	_ =	shalt  }

</sc_bundles>
